<compile_context>
chip_gen: v7x
topology: tpu7x:2x2x1
jax: 0.10.2.dev20260603
libtpu: 0.0.44.dev20260713+nightly
codegen_flags: <defaults>
</compile_context>

<pallas_src>
import functools

import jax
import jax.numpy as jnp
from jax import lax
from jax.experimental import pallas as pl
from jax.experimental.pallas import tpu as pltpu
from jax.experimental.pallas import tpu_sc as plsc

R = 64
V = 100000
NC = 2
NS = 16
NW = NC * NS
L = 16
U = 5

GROUPS = 8
QUARTERS = 4
QW = 24960
CW = 3200
NCHUNK = 8
EDGE_T = 781 * 128
EDGEW = V - EDGE_T

NEG_INF = float("-inf")
I32_MAX = 2**31 - 1


def _bcast_max(x):
    c = plsc.cummax(x)
    return plsc.cummax(lax.rev(c, (0,)))


def _merge(a, b):
    (va, ia), (vb, ib) = a, b
    p = (va > vb) | ((va == vb) & (ia < ib))
    return jnp.where(p, va, vb), jnp.where(p, ia, ib)


def _greedy_body(m_hbm, edge_hbm, out_hbm, stv_hbm, sti_hbm, buf0, buf1,
                 bufe, resv_v, resi_v, lv_v, li_v, sem0, sem1, seme):
    wid = lax.axis_index("c") * NS + lax.axis_index("s")
    g = wid // QUARTERS
    q = wid % QUARTERS
    row0 = pl.multiple_of(g * 8, 8)
    qbase = pl.multiple_of(q * QW, 128)
    lane = lax.iota(jnp.int32, L)
    sems = (sem0, sem1)

    qend = jnp.where(q == QUARTERS - 1, EDGE_T, (q + 1) * QW)

    def chunk_col(t):
        return pl.multiple_of(
            jnp.where(t == NCHUNK - 1, qend - CW, qbase + t * CW), 128)

    def start(t, buf, sem):
        pltpu.make_async_copy(
            m_hbm.at[pl.ds(row0, 8), pl.ds(chunk_col(t), CW)], buf, sem
        ).start()

    start(0, buf0, sem0)
    start(1, buf1, sem1)
    edge_cp = pltpu.make_async_copy(edge_hbm.at[pl.ds(row0, 8), :], bufe,
                                    seme)
    edge_cp.start()

    outer = CW // L

    def process(t, buf, accs):
        cbase = chunk_col(t) // L

        def body(i, carry):
            bi = jnp.zeros((L,), jnp.int32) + (cbase + i)
            new = []
            for r, (av, ai) in enumerate(carry):
                v = buf[r, pl.ds(i * L, L)]
                p = v > av
                new.append((jnp.where(p, v, av), jnp.where(p, bi, ai)))
            return tuple(new)

        return lax.fori_loop(0, outer, body, accs)

    def wait(t, buf, sem):
        pltpu.make_async_copy(
            m_hbm.at[pl.ds(row0, 8), pl.ds(chunk_col(t), CW)], buf, sem
        ).wait()

    def pair_body(p, accs):
        t0 = p * 2
        wait(t0, buf0, sem0)
        accs = process(t0, buf0, accs)

        @pl.when(t0 + 2 < NCHUNK)
        def _():
            start(t0 + 2, buf0, sem0)

        wait(t0 + 1, buf1, sem1)
        accs = process(t0 + 1, buf1, accs)

        @pl.when(t0 + 3 < NCHUNK)
        def _():
            start(t0 + 3, buf1, sem1)

        return accs

    accs = tuple((jnp.full((L,), NEG_INF, jnp.float32),
                  jnp.zeros((L,), jnp.int32)) for _ in range(8))
    accs = lax.fori_loop(0, NCHUNK // 2, pair_body, accs)

    edge_cp.wait()
    res_val = jnp.zeros((L,), jnp.float32)
    res_idx = jnp.zeros((L,), jnp.int32)
    for r in range(8):
        pv, ai = accs[r]
        for k in range(EDGEW // L):
            v = bufe[r, pl.ds(k * L, L)]
            bi = jnp.zeros((L,), jnp.int32) + (EDGE_T // L + k)
            p = v > pv
            pv, ai = jnp.where(p, v, pv), jnp.where(p, bi, ai)
        pi = ai * L + lane
        rmax = _bcast_max(pv)
        masked = jnp.where(pv == rmax, pi, jnp.int32(I32_MAX))
        ridx = -_bcast_max(-masked)
        res_val = jnp.where(lane == r, rmax, res_val)
        res_idx = jnp.where(lane == r, ridx, res_idx)

    resv_v[...] = res_val
    resi_v[...] = res_idx
    pltpu.sync_copy(resv_v, stv_hbm.at[pl.ds(wid * L, L)])
    pltpu.sync_copy(resi_v, sti_hbm.at[pl.ds(wid * L, L)])
    plsc.subcore_barrier()

    @pl.when(q == 0)
    def _():
        pltpu.sync_copy(stv_hbm.at[pl.ds(wid * L, QUARTERS * L)], lv_v)
        pltpu.sync_copy(sti_hbm.at[pl.ds(wid * L, QUARTERS * L)], li_v)
        best = (lv_v[pl.ds(0, L)], li_v[pl.ds(0, L)])
        for k in range(1, QUARTERS):
            best = _merge(best, (lv_v[pl.ds(k * L, L)],
                                 li_v[pl.ds(k * L, L)]))
        resi_v[...] = best[1]
        pltpu.sync_copy(resi_v, out_hbm.at[g])


@functools.partial(jax.jit, donate_argnums=())
def kernel(m_logits):
    staged, _, _ = pl.kernel(
        _greedy_body,
        out_type=(jax.ShapeDtypeStruct((GROUPS, L), jnp.int32),
                  jax.ShapeDtypeStruct((NW * L,), jnp.float32),
                  jax.ShapeDtypeStruct((NW * L,), jnp.int32)),
        mesh=plsc.VectorSubcoreMesh(core_axis_name="c", subcore_axis_name="s"),
        scratch_types=[
            pltpu.VMEM((8, CW), jnp.float32),
            pltpu.VMEM((8, CW), jnp.float32),
            pltpu.VMEM((8, EDGEW), jnp.float32),
            pltpu.VMEM((L,), jnp.float32),
            pltpu.VMEM((L,), jnp.int32),
            pltpu.VMEM((QUARTERS * L,), jnp.float32),
            pltpu.VMEM((QUARTERS * L,), jnp.int32),
            pltpu.SemaphoreType.DMA,
            pltpu.SemaphoreType.DMA,
            pltpu.SemaphoreType.DMA,
        ],
        compiler_params=pltpu.CompilerParams(needs_layout_passes=False),
        name="greedy_head_sc",
    )(m_logits, m_logits[:, EDGE_T:])
    return staged[:, :8].reshape(R, 1)

# --- scband reference (transcript-rebuilt; emitter-appended) ---
"""Pipeline reference for scband-greedy-head-65695819760027 (READ-ONLY COPY).

The authoritative reference and input builder live on the scoring server;
editing this copy changes nothing except your own understanding.
"""

import jax, jax.numpy as jnp
import numpy as np


def setup_inputs(seed: int = 0) -> dict:
    key = jax.random.key(seed)
    m_logits = jax.random.normal(key, (64, 100000), dtype=jnp.float32)
    return {"m_logits": m_logits}


def reference(m_logits):
    # GreedyHead.forward: _, token = torch.topk(m_logits.float(), 1); return token
    _, token = jax.lax.top_k(m_logits.astype(jnp.float32), 1)
    return token

if __name__ == "__main__":
    import jax
    _d = setup_inputs()
    print(jax.jit(kernel)(*tuple(_d.values())))

</pallas_src>

<mosaic_0001>
#map = affine_map<(d0, d1) -> (0, 0)>
#map1 = affine_map<(d0, d1) -> (0)>
module attributes {stable_mosaic.version = 14 : i64} {
  func.func @greedy_head_sc(%arg0: i32, %arg1: i32, %arg2: memref<64x100000xf32, #tpu.memory_space<hbm>>, %arg3: memref<64x32xf32, #tpu.memory_space<hbm>>, %arg4: memref<8x16xi32, #tpu.memory_space<hbm>>, %arg5: memref<512xf32, #tpu.memory_space<hbm>>, %arg6: memref<512xi32, #tpu.memory_space<hbm>>, %arg7: memref<8x3200xf32, #tpu.memory_space<vmem>>, %arg8: memref<8x3200xf32, #tpu.memory_space<vmem>>, %arg9: memref<8x32xf32, #tpu.memory_space<vmem>>, %arg10: memref<16xf32, #tpu.memory_space<vmem>>, %arg11: memref<16xi32, #tpu.memory_space<vmem>>, %arg12: memref<64xf32, #tpu.memory_space<vmem>>, %arg13: memref<64xi32, #tpu.memory_space<vmem>>, %arg14: memref<!tpu.dma_semaphore, #tpu.memory_space<semaphore_mem>>, %arg15: memref<!tpu.dma_semaphore, #tpu.memory_space<semaphore_mem>>, %arg16: memref<!tpu.dma_semaphore, #tpu.memory_space<semaphore_mem>>) attributes {dimension_semantics = [#tpu.dimension_semantics<core_parallel>, #tpu.dimension_semantics<subcore_parallel>], iteration_bounds = array<i64: 2, 16>, scalar_prefetch = 0 : i64, scratch_operands = 10 : i64, tpu.core_type = #tpu.core_type<sc_vector_subcore>, window_params = [{transform_indices = #map}, {transform_indices = #map}, {transform_indices = #map}, {transform_indices = #map1}, {transform_indices = #map1}]} {
    %mul3A = arith.constant 16 : i32
    %mul3A_0 = arith.muli %arg0, %mul3A : i32
    %add3A = arith.addi %mul3A_0, %arg1 : i32
    %jit3A = arith.constant 4 : i32
    %div3A = arith.divsi %add3A, %jit3A : i32
    %sign3A = arith.constant 0 : i32
    %sign3A_1 = arith.cmpi sgt, %add3A, %sign3A : i32
    %sign3A_2 = arith.extui %sign3A_1 : i1 to i32
    %sign3A_3 = arith.constant 0 : i32
    %sign3A_4 = arith.cmpi slt, %add3A, %sign3A_3 : i32
    %sign3A_5 = arith.extui %sign3A_4 : i1 to i32
    %sign3A_6 = arith.subi %sign3A_2, %sign3A_5 : i32
    %sign3A_7 = arith.constant 0 : i32
    %sign3A_8 = arith.cmpi sgt, %jit3A, %sign3A_7 : i32
    %sign3A_9 = arith.extui %sign3A_8 : i1 to i32
    %sign3A_10 = arith.constant 0 : i32
    %sign3A_11 = arith.cmpi slt, %jit3A, %sign3A_10 : i32
    %sign3A_12 = arith.extui %sign3A_11 : i1 to i32
    %sign3A_13 = arith.subi %sign3A_9, %sign3A_12 : i32
    %ne3A = arith.cmpi ne, %sign3A_6, %sign3A_13 : i32
    %rem3A = arith.remsi %add3A, %jit3A : i32
    %ne3A_14 = arith.constant 0 : i32
    %ne3A_15 = arith.cmpi ne, %rem3A, %ne3A_14 : i32
    %and3A = arith.andi %ne3A, %ne3A_15 : i1
    %sub3A = arith.constant 1 : i32
    %sub3A_16 = arith.subi %div3A, %sub3A : i32
    %select_n3A = arith.select %and3A, %sub3A_16, %div3A : i32
    %jit3A_17 = arith.constant 4 : i32
    %eq3A = arith.constant 0 : i32
    %eq3A_18 = arith.cmpi eq, %jit3A_17, %eq3A : i32
    %jit3A_19 = arith.constant 1 : i32
    %select_n3A_20 = arith.select %eq3A_18, %jit3A_19, %jit3A_17 : i32
    %rem3A_21 = arith.remsi %add3A, %select_n3A_20 : i32
    %ne3A_22 = arith.constant 0 : i32
    %ne3A_23 = arith.cmpi ne, %rem3A_21, %ne3A_22 : i32
    %lt3A = arith.constant 0 : i32
    %lt3A_24 = arith.cmpi slt, %rem3A_21, %lt3A : i32
    %lt3A_25 = arith.constant 0 : i32
    %lt3A_26 = arith.cmpi slt, %select_n3A_20, %lt3A_25 : i32
    %ne3A_27 = arith.xori %lt3A_24, %lt3A_26 : i1
    %and3A_28 = arith.andi %ne3A_27, %ne3A_23 : i1
    %add3A_29 = arith.addi %rem3A_21, %select_n3A_20 : i32
    %select_n3A_30 = arith.select %and3A_28, %add3A_29, %rem3A_21 : i32
    %mul3A_31 = arith.constant 8 : i32
    %mul3A_32 = arith.muli %select_n3A, %mul3A_31 : i32
    %multiple_of3A = tpu.assume_multiple %mul3A_32, 8 : i32
    %mul3A_33 = arith.constant 24960 : i32
    %mul3A_34 = arith.muli %select_n3A_30, %mul3A_33 : i32
    %multiple_of3A_35 = tpu.assume_multiple %mul3A_34, 128 : i32
    %iota3A = tpu.iota {dimensions = array<i32: 0>} : vector<16xi32>
    %eq3A_36 = arith.constant 3 : i32
    %eq3A_37 = arith.cmpi eq, %select_n3A_30, %eq3A_36 : i32
    %add3A_38 = arith.constant 1 : i32
    %add3A_39 = arith.addi %select_n3A_30, %add3A_38 : i32
    %mul3A_40 = arith.constant 24960 : i32
    %mul3A_41 = arith.muli %add3A_39, %mul3A_40 : i32
    %jit3A_42 = arith.constant 99968 : i32
    %select_n3A_43 = arith.select %eq3A_37, %jit3A_42, %mul3A_41 : i32
    %sub3A_44 = arith.constant 3200 : i32
    %sub3A_45 = arith.subi %select_n3A_43, %sub3A_44 : i32
    %add3A_46 = arith.constant 0 : i32
    %add3A_47 = arith.addi %multiple_of3A_35, %add3A_46 : i32
    %jit3A_48 = arith.constant false
    %select_n3A_49 = arith.select %jit3A_48, %sub3A_45, %add3A_47 : i32
    %multiple_of3A_50 = tpu.assume_multiple %select_n3A_49, 128 : i32
    %dma_start3A = tpu.memref_slice %arg2[%multiple_of3A, %multiple_of3A_50] : memref<64x100000xf32, #tpu.memory_space<hbm>> -> memref<8x3200xf32, #tpu.memory_space<hbm>>
    %dma_start3A_51 = tpu.memref_slice %arg2[%multiple_of3A, %multiple_of3A_50] : memref<64x100000xf32, #tpu.memory_space<hbm>> -> memref<8x3200xf32, #tpu.memory_space<hbm>>
    tpu.enqueue_dma source(%dma_start3A_51 : memref<8x3200xf32, #tpu.memory_space<hbm>>) target(%arg7 : memref<8x3200xf32, #tpu.memory_space<vmem>>) target_semaphore(%arg14 : memref<!tpu.dma_semaphore, #tpu.memory_space<semaphore_mem>>)
    %sub3A_52 = arith.constant 3200 : i32
    %sub3A_53 = arith.subi %select_n3A_43, %sub3A_52 : i32
    %add3A_54 = arith.constant 3200 : i32
    %add3A_55 = arith.addi %multiple_of3A_35, %add3A_54 : i32
    %jit3A_56 = arith.constant false
    %select_n3A_57 = arith.select %jit3A_56, %sub3A_53, %add3A_55 : i32
    %multiple_of3A_58 = tpu.assume_multiple %select_n3A_57, 128 : i32
    %dma_start3A_59 = tpu.memref_slice %arg2[%multiple_of3A, %multiple_of3A_58] : memref<64x100000xf32, #tpu.memory_space<hbm>> -> memref<8x3200xf32, #tpu.memory_space<hbm>>
    %dma_start3A_60 = tpu.memref_slice %arg2[%multiple_of3A, %multiple_of3A_58] : memref<64x100000xf32, #tpu.memory_space<hbm>> -> memref<8x3200xf32, #tpu.memory_space<hbm>>
    tpu.enqueue_dma source(%dma_start3A_60 : memref<8x3200xf32, #tpu.memory_space<hbm>>) target(%arg8 : memref<8x3200xf32, #tpu.memory_space<vmem>>) target_semaphore(%arg15 : memref<!tpu.dma_semaphore, #tpu.memory_space<semaphore_mem>>)
    %dma_start3A_61 = arith.constant 0 : i32
    %dma_start3A_62 = tpu.memref_slice %arg3[%multiple_of3A, %dma_start3A_61] : memref<64x32xf32, #tpu.memory_space<hbm>> -> memref<8x32xf32, #tpu.memory_space<hbm>>
    %dma_start3A_63 = arith.constant 0 : i32
    %dma_start3A_64 = tpu.memref_slice %arg3[%multiple_of3A, %dma_start3A_63] : memref<64x32xf32, #tpu.memory_space<hbm>> -> memref<8x32xf32, #tpu.memory_space<hbm>>
    tpu.enqueue_dma source(%dma_start3A_64 : memref<8x32xf32, #tpu.memory_space<hbm>>) target(%arg9 : memref<8x32xf32, #tpu.memory_space<vmem>>) target_semaphore(%arg16 : memref<!tpu.dma_semaphore, #tpu.memory_space<semaphore_mem>>)
    %broadcast_in_dim3A = arith.constant 0xFF800000 : f32
    %broadcast_in_dim3A_65 = vector.broadcast %broadcast_in_dim3A : f32 to vector<16xf32>
    %broadcast_in_dim3A_66 = arith.constant 0 : i32
    %broadcast_in_dim3A_67 = vector.broadcast %broadcast_in_dim3A_66 : i32 to vector<16xi32>
    %broadcast_in_dim3A_68 = arith.constant 0xFF800000 : f32
    %broadcast_in_dim3A_69 = vector.broadcast %broadcast_in_dim3A_68 : f32 to vector<16xf32>
    %broadcast_in_dim3A_70 = arith.constant 0 : i32
    %broadcast_in_dim3A_71 = vector.broadcast %broadcast_in_dim3A_70 : i32 to vector<16xi32>
    %broadcast_in_dim3A_72 = arith.constant 0xFF800000 : f32
    %broadcast_in_dim3A_73 = vector.broadcast %broadcast_in_dim3A_72 : f32 to vector<16xf32>
    %broadcast_in_dim3A_74 = arith.constant 0 : i32
    %broadcast_in_dim3A_75 = vector.broadcast %broadcast_in_dim3A_74 : i32 to vector<16xi32>
    %broadcast_in_dim3A_76 = arith.constant 0xFF800000 : f32
    %broadcast_in_dim3A_77 = vector.broadcast %broadcast_in_dim3A_76 : f32 to vector<16xf32>
    %broadcast_in_dim3A_78 = arith.constant 0 : i32
    %broadcast_in_dim3A_79 = vector.broadcast %broadcast_in_dim3A_78 : i32 to vector<16xi32>
    %broadcast_in_dim3A_80 = arith.constant 0xFF800000 : f32
    %broadcast_in_dim3A_81 = vector.broadcast %broadcast_in_dim3A_80 : f32 to vector<16xf32>
    %broadcast_in_dim3A_82 = arith.constant 0 : i32
    %broadcast_in_dim3A_83 = vector.broadcast %broadcast_in_dim3A_82 : i32 to vector<16xi32>
    %broadcast_in_dim3A_84 = arith.constant 0xFF800000 : f32
    %broadcast_in_dim3A_85 = vector.broadcast %broadcast_in_dim3A_84 : f32 to vector<16xf32>
    %broadcast_in_dim3A_86 = arith.constant 0 : i32
    %broadcast_in_dim3A_87 = vector.broadcast %broadcast_in_dim3A_86 : i32 to vector<16xi32>
    %broadcast_in_dim3A_88 = arith.constant 0xFF800000 : f32
    %broadcast_in_dim3A_89 = vector.broadcast %broadcast_in_dim3A_88 : f32 to vector<16xf32>
    %broadcast_in_dim3A_90 = arith.constant 0 : i32
    %broadcast_in_dim3A_91 = vector.broadcast %broadcast_in_dim3A_90 : i32 to vector<16xi32>
    %broadcast_in_dim3A_92 = arith.constant 0xFF800000 : f32
    %broadcast_in_dim3A_93 = vector.broadcast %broadcast_in_dim3A_92 : f32 to vector<16xf32>
    %broadcast_in_dim3A_94 = arith.constant 0 : i32
    %broadcast_in_dim3A_95 = vector.broadcast %broadcast_in_dim3A_94 : i32 to vector<16xi32>
    %scan3A = arith.constant 0 : i32
    %scan3A_96 = arith.constant 4 : i32
    %scan3A_97 = arith.addi %scan3A, %scan3A_96 : i32
    %scan3A_98 = arith.constant 1 : i32
    %scan3A_99:16 = scf.for %scan3A_721 = %scan3A to %scan3A_97 step %scan3A_98 iter_args(%scan3A_722 = %broadcast_in_dim3A_65, %scan3A_723 = %broadcast_in_dim3A_67, %scan3A_724 = %broadcast_in_dim3A_69, %scan3A_725 = %broadcast_in_dim3A_71, %scan3A_726 = %broadcast_in_dim3A_73, %scan3A_727 = %broadcast_in_dim3A_75, %scan3A_728 = %broadcast_in_dim3A_77, %scan3A_729 = %broadcast_in_dim3A_79, %scan3A_730 = %broadcast_in_dim3A_81, %scan3A_731 = %broadcast_in_dim3A_83, %scan3A_732 = %broadcast_in_dim3A_85, %scan3A_733 = %broadcast_in_dim3A_87, %scan3A_734 = %broadcast_in_dim3A_89, %scan3A_735 = %broadcast_in_dim3A_91, %scan3A_736 = %broadcast_in_dim3A_93, %scan3A_737 = %broadcast_in_dim3A_95) -> (vector<16xf32>, vector<16xi32>, vector<16xf32>, vector<16xi32>, vector<16xf32>, vector<16xi32>, vector<16xf32>, vector<16xi32>, vector<16xf32>, vector<16xi32>, vector<16xf32>, vector<16xi32>, vector<16xf32>, vector<16xi32>, vector<16xf32>, vector<16xi32>)  : i32 {
      %mul3A_738 = arith.constant 2 : i32
      %mul3A_739 = arith.muli %scan3A_721, %mul3A_738 : i32
      %eq3A_740 = arith.constant 7 : i32
      %eq3A_741 = arith.cmpi eq, %mul3A_739, %eq3A_740 : i32
      %sub3A_742 = arith.constant 3200 : i32
      %sub3A_743 = arith.subi %select_n3A_43, %sub3A_742 : i32
      %mul3A_744 = arith.constant 3200 : i32
      %mul3A_745 = arith.muli %mul3A_739, %mul3A_744 : i32
      %add3A_746 = arith.addi %multiple_of3A_35, %mul3A_745 : i32
      %select_n3A_747 = arith.select %eq3A_741, %sub3A_743, %add3A_746 : i32
      %multiple_of3A_748 = tpu.assume_multiple %select_n3A_747, 128 : i32
      %dma_wait3A_749 = tpu.memref_slice %arg2[%multiple_of3A, %multiple_of3A_748] : memref<64x100000xf32, #tpu.memory_space<hbm>> -> memref<8x3200xf32, #tpu.memory_space<hbm>>
      %dma_wait3A_750 = tpu.memref_slice %arg2[%multiple_of3A, %multiple_of3A_748] : memref<64x100000xf32, #tpu.memory_space<hbm>> -> memref<8x3200xf32, #tpu.memory_space<hbm>>
      tpu.wait_dma2 semaphore(%arg14 : memref<!tpu.dma_semaphore, #tpu.memory_space<semaphore_mem>>) src(%dma_wait3A_750 : memref<8x3200xf32, #tpu.memory_space<hbm>>) dst(%arg7 : memref<8x3200xf32, #tpu.memory_space<vmem>>)
      %eq3A_751 = arith.constant 7 : i32
      %eq3A_752 = arith.cmpi eq, %mul3A_739, %eq3A_751 : i32
      %sub3A_753 = arith.constant 3200 : i32
      %sub3A_754 = arith.subi %select_n3A_43, %sub3A_753 : i32
      %mul3A_755 = arith.constant 3200 : i32
      %mul3A_756 = arith.muli %mul3A_739, %mul3A_755 : i32
      %add3A_757 = arith.addi %multiple_of3A_35, %mul3A_756 : i32
      %select_n3A_758 = arith.select %eq3A_752, %sub3A_754, %add3A_757 : i32
      %multiple_of3A_759 = tpu.assume_multiple %select_n3A_758, 128 : i32
      %jit3A_760 = arith.constant 16 : i32
      %div3A_761 = arith.divsi %multiple_of3A_759, %jit3A_760 : i32
      %sign3A_762 = arith.constant 0 : i32
      %sign3A_763 = arith.cmpi sgt, %multiple_of3A_759, %sign3A_762 : i32
      %sign3A_764 = arith.extui %sign3A_763 : i1 to i32
      %sign3A_765 = arith.constant 0 : i32
      %sign3A_766 = arith.cmpi slt, %multiple_of3A_759, %sign3A_765 : i32
      %sign3A_767 = arith.extui %sign3A_766 : i1 to i32
      %sign3A_768 = arith.subi %sign3A_764, %sign3A_767 : i32
      %sign3A_769 = arith.constant 0 : i32
      %sign3A_770 = arith.cmpi sgt, %jit3A_760, %sign3A_769 : i32
      %sign3A_771 = arith.extui %sign3A_770 : i1 to i32
      %sign3A_772 = arith.constant 0 : i32
      %sign3A_773 = arith.cmpi slt, %jit3A_760, %sign3A_772 : i32
      %sign3A_774 = arith.extui %sign3A_773 : i1 to i32
      %sign3A_775 = arith.subi %sign3A_771, %sign3A_774 : i32
      %ne3A_776 = arith.cmpi ne, %sign3A_768, %sign3A_775 : i32
      %rem3A_777 = arith.remsi %multiple_of3A_759, %jit3A_760 : i32
      %ne3A_778 = arith.constant 0 : i32
      %ne3A_779 = arith.cmpi ne, %rem3A_777, %ne3A_778 : i32
      %and3A_780 = arith.andi %ne3A_776, %ne3A_779 : i1
      %sub3A_781 = arith.constant 1 : i32
      %sub3A_782 = arith.subi %div3A_761, %sub3A_781 : i32
      %select_n3A_783 = arith.select %and3A_780, %sub3A_782, %div3A_761 : i32
      %scan3A_784 = arith.constant 0 : i32
      %scan3A_785 = arith.constant 200 : i32
      %scan3A_786 = arith.addi %scan3A_784, %scan3A_785 : i32
      %scan3A_787 = arith.constant 1 : i32
      %scan3A_788:16 = scf.for %scan3A_858 = %scan3A_784 to %scan3A_786 step %scan3A_787 iter_args(%scan3A_859 = %scan3A_722, %scan3A_860 = %scan3A_723, %scan3A_861 = %scan3A_724, %scan3A_862 = %scan3A_725, %scan3A_863 = %scan3A_726, %scan3A_864 = %scan3A_727, %scan3A_865 = %scan3A_728, %scan3A_866 = %scan3A_729, %scan3A_867 = %scan3A_730, %scan3A_868 = %scan3A_731, %scan3A_869 = %scan3A_732, %scan3A_870 = %scan3A_733, %scan3A_871 = %scan3A_734, %scan3A_872 = %scan3A_735, %scan3A_873 = %scan3A_736, %scan3A_874 = %scan3A_737) -> (vector<16xf32>, vector<16xi32>, vector<16xf32>, vector<16xi32>, vector<16xf32>, vector<16xi32>, vector<16xf32>, vector<16xi32>, vector<16xf32>, vector<16xi32>, vector<16xf32>, vector<16xi32>, vector<16xf32>, vector<16xi32>, vector<16xf32>, vector<16xi32>)  : i32 {
        %broadcast_in_dim3A_875 = arith.constant 0 : i32
        %broadcast_in_dim3A_876 = vector.broadcast %broadcast_in_dim3A_875 : i32 to vector<16xi32>
        %add3A_877 = arith.addi %select_n3A_783, %scan3A_858 : i32
        %add3A_878 = vector.broadcast %add3A_877 : i32 to vector<16xi32>
        %add3A_879 = arith.addi %broadcast_in_dim3A_876, %add3A_878 : vector<16xi32>
        %mul3A_880 = arith.constant 16 : i32
        %mul3A_881 = arith.muli %scan3A_858, %mul3A_880 : i32
        %get3A_882 = arith.constant 0 : i32
        %get3A_883 = arith.index_cast %get3A_882 : i32 to index
        %get3A_884 = arith.index_cast %mul3A_881 : i32 to index
        %get3A_885 = tpu.vector_load %arg7[%get3A_883, %get3A_884] {strides = array<i32>} : memref<8x3200xf32, #tpu.memory_space<vmem>>, vector<16xf32>,
        %gt3A_886 = arith.cmpf ogt, %get3A_885, %scan3A_859 : vector<16xf32>
        %select_n3A_887 = arith.select %gt3A_886, %get3A_885, %scan3A_859 : vector<16xi1>, vector<16xf32>
        %select_n3A_888 = arith.select %gt3A_886, %add3A_879, %scan3A_860 : vector<16xi1>, vector<16xi32>
        %mul3A_889 = arith.constant 16 : i32
        %mul3A_890 = arith.muli %scan3A_858, %mul3A_889 : i32
        %get3A_891 = arith.constant 1 : i32
        %get3A_892 = arith.index_cast %get3A_891 : i32 to index
        %get3A_893 = arith.index_cast %mul3A_890 : i32 to index
        %get3A_894 = tpu.vector_load %arg7[%get3A_892, %get3A_893] {strides = array<i32>} : memref<8x3200xf32, #tpu.memory_space<vmem>>, vector<16xf32>,
        %gt3A_895 = arith.cmpf ogt, %get3A_894, %scan3A_861 : vector<16xf32>
        %select_n3A_896 = arith.select %gt3A_895, %get3A_894, %scan3A_861 : vector<16xi1>, vector<16xf32>
        %select_n3A_897 = arith.select %gt3A_895, %add3A_879, %scan3A_862 : vector<16xi1>, vector<16xi32>
        %mul3A_898 = arith.constant 16 : i32
        %mul3A_899 = arith.muli %scan3A_858, %mul3A_898 : i32
        %get3A_900 = arith.constant 2 : i32
        %get3A_901 = arith.index_cast %get3A_900 : i32 to index
        %get3A_902 = arith.index_cast %mul3A_899 : i32 to index
        %get3A_903 = tpu.vector_load %arg7[%get3A_901, %get3A_902] {strides = array<i32>} : memref<8x3200xf32, #tpu.memory_space<vmem>>, vector<16xf32>,
        %gt3A_904 = arith.cmpf ogt, %get3A_903, %scan3A_863 : vector<16xf32>
        %select_n3A_905 = arith.select %gt3A_904, %get3A_903, %scan3A_863 : vector<16xi1>, vector<16xf32>
        %select_n3A_906 = arith.select %gt3A_904, %add3A_879, %scan3A_864 : vector<16xi1>, vector<16xi32>
        %mul3A_907 = arith.constant 16 : i32
        %mul3A_908 = arith.muli %scan3A_858, %mul3A_907 : i32
        %get3A_909 = arith.constant 3 : i32
        %get3A_910 = arith.index_cast %get3A_909 : i32 to index
        %get3A_911 = arith.index_cast %mul3A_908 : i32 to index
        %get3A_912 = tpu.vector_load %arg7[%get3A_910, %get3A_911] {strides = array<i32>} : memref<8x3200xf32, #tpu.memory_space<vmem>>, vector<16xf32>,
        %gt3A_913 = arith.cmpf ogt, %get3A_912, %scan3A_865 : vector<16xf32>
        %select_n3A_914 = arith.select %gt3A_913, %get3A_912, %scan3A_865 : vector<16xi1>, vector<16xf32>
        %select_n3A_915 = arith.select %gt3A_913, %add3A_879, %scan3A_866 : vector<16xi1>, vector<16xi32>
        %mul3A_916 = arith.constant 16 : i32
        %mul3A_917 = arith.muli %scan3A_858, %mul3A_916 : i32
        %get3A_918 = arith.constant 4 : i32
        %get3A_919 = arith.index_cast %get3A_918 : i32 to index
        %get3A_920 = arith.index_cast %mul3A_917 : i32 to index
        %get3A_921 = tpu.vector_load %arg7[%get3A_919, %get3A_920] {strides = array<i32>} : memref<8x3200xf32, #tpu.memory_space<vmem>>, vector<16xf32>,
        %gt3A_922 = arith.cmpf ogt, %get3A_921, %scan3A_867 : vector<16xf32>
        %select_n3A_923 = arith.select %gt3A_922, %get3A_921, %scan3A_867 : vector<16xi1>, vector<16xf32>
        %select_n3A_924 = arith.select %gt3A_922, %add3A_879, %scan3A_868 : vector<16xi1>, vector<16xi32>
        %mul3A_925 = arith.constant 16 : i32
        %mul3A_926 = arith.muli %scan3A_858, %mul3A_925 : i32
        %get3A_927 = arith.constant 5 : i32
        %get3A_928 = arith.index_cast %get3A_927 : i32 to index
        %get3A_929 = arith.index_cast %mul3A_926 : i32 to index
        %get3A_930 = tpu.vector_load %arg7[%get3A_928, %get3A_929] {strides = array<i32>} : memref<8x3200xf32, #tpu.memory_space<vmem>>, vector<16xf32>,
        %gt3A_931 = arith.cmpf ogt, %get3A_930, %scan3A_869 : vector<16xf32>
        %select_n3A_932 = arith.select %gt3A_931, %get3A_930, %scan3A_869 : vector<16xi1>, vector<16xf32>
        %select_n3A_933 = arith.select %gt3A_931, %add3A_879, %scan3A_870 : vector<16xi1>, vector<16xi32>
        %mul3A_934 = arith.constant 16 : i32
        %mul3A_935 = arith.muli %scan3A_858, %mul3A_934 : i32
        %get3A_936 = arith.constant 6 : i32
        %get3A_937 = arith.index_cast %get3A_936 : i32 to index
        %get3A_938 = arith.index_cast %mul3A_935 : i32 to index
        %get3A_939 = tpu.vector_load %arg7[%get3A_937, %get3A_938] {strides = array<i32>} : memref<8x3200xf32, #tpu.memory_space<vmem>>, vector<16xf32>,
        %gt3A_940 = arith.cmpf ogt, %get3A_939, %scan3A_871 : vector<16xf32>
        %select_n3A_941 = arith.select %gt3A_940, %get3A_939, %scan3A_871 : vector<16xi1>, vector<16xf32>
        %select_n3A_942 = arith.select %gt3A_940, %add3A_879, %scan3A_872 : vector<16xi1>, vector<16xi32>
        %mul3A_943 = arith.constant 16 : i32
        %mul3A_944 = arith.muli %scan3A_858, %mul3A_943 : i32
        %get3A_945 = arith.constant 7 : i32
        %get3A_946 = arith.index_cast %get3A_945 : i32 to index
        %get3A_947 = arith.index_cast %mul3A_944 : i32 to index
        %get3A_948 = tpu.vector_load %arg7[%get3A_946, %get3A_947] {strides = array<i32>} : memref<8x3200xf32, #tpu.memory_space<vmem>>, vector<16xf32>,
        %gt3A_949 = arith.cmpf ogt, %get3A_948, %scan3A_873 : vector<16xf32>
        %select_n3A_950 = arith.select %gt3A_949, %get3A_948, %scan3A_873 : vector<16xi1>, vector<16xf32>
        %select_n3A_951 = arith.select %gt3A_949, %add3A_879, %scan3A_874 : vector<16xi1>, vector<16xi32>
        scf.yield %select_n3A_887, %select_n3A_888, %select_n3A_896, %select_n3A_897, %select_n3A_905, %select_n3A_906, %select_n3A_914, %select_n3A_915, %select_n3A_923, %select_n3A_924, %select_n3A_932, %select_n3A_933, %select_n3A_941, %select_n3A_942, %select_n3A_950, %select_n3A_951 : vector<16xf32>, vector<16xi32>, vector<16xf32>, vector<16xi32>, vector<16xf32>, vector<16xi32>, vector<16xf32>, vector<16xi32>, vector<16xf32>, vector<16xi32>, vector<16xf32>, vector<16xi32>, vector<16xf32>, vector<16xi32>, vector<16xf32>, vector<16xi32>
      }
      %scan3A_789 = arith.constant 200 : i32
      %add3A_790 = arith.constant 2 : i32
      %add3A_791 = arith.addi %mul3A_739, %add3A_790 : i32
      %lt3A_792 = arith.constant 8 : i32
      %lt3A_793 = arith.cmpi slt, %add3A_791, %lt3A_792 : i32
      %convert_element_type3A_794 = arith.extui %lt3A_793 : i1 to i32
      %cond3A_795 = arith.constant 0 : i32
      %cond3A_796 = arith.cmpi ne, %convert_element_type3A_794, %cond3A_795 : i32
      scf.if %cond3A_796 {
        %add3A_858 = arith.constant 2 : i32
        %add3A_859 = arith.addi %mul3A_739, %add3A_858 : i32
        %eq3A_860 = arith.constant 7 : i32
        %eq3A_861 = arith.cmpi eq, %add3A_859, %eq3A_860 : i32
        %sub3A_862 = arith.constant 3200 : i32
        %sub3A_863 = arith.subi %select_n3A_43, %sub3A_862 : i32
        %mul3A_864 = arith.constant 3200 : i32
        %mul3A_865 = arith.muli %add3A_859, %mul3A_864 : i32
        %add3A_866 = arith.addi %multiple_of3A_35, %mul3A_865 : i32
        %select_n3A_867 = arith.select %eq3A_861, %sub3A_863, %add3A_866 : i32
        %multiple_of3A_868 = tpu.assume_multiple %select_n3A_867, 128 : i32
        %dma_start3A_869 = tpu.memref_slice %arg2[%multiple_of3A, %multiple_of3A_868] : memref<64x100000xf32, #tpu.memory_space<hbm>> -> memref<8x3200xf32, #tpu.memory_space<hbm>>
        %dma_start3A_870 = tpu.memref_slice %arg2[%multiple_of3A, %multiple_of3A_868] : memref<64x100000xf32, #tpu.memory_space<hbm>> -> memref<8x3200xf32, #tpu.memory_space<hbm>>
        tpu.enqueue_dma source(%dma_start3A_870 : memref<8x3200xf32, #tpu.memory_space<hbm>>) target(%arg7 : memref<8x3200xf32, #tpu.memory_space<vmem>>) target_semaphore(%arg14 : memref<!tpu.dma_semaphore, #tpu.memory_space<semaphore_mem>>)
      } else {
      }
      %add3A_797 = arith.constant 1 : i32
      %add3A_798 = arith.addi %mul3A_739, %add3A_797 : i32
      %eq3A_799 = arith.constant 7 : i32
      %eq3A_800 = arith.cmpi eq, %add3A_798, %eq3A_799 : i32
      %sub3A_801 = arith.constant 3200 : i32
      %sub3A_802 = arith.subi %select_n3A_43, %sub3A_801 : i32
      %mul3A_803 = arith.constant 3200 : i32
      %mul3A_804 = arith.muli %add3A_798, %mul3A_803 : i32
      %add3A_805 = arith.addi %multiple_of3A_35, %mul3A_804 : i32
      %select_n3A_806 = arith.select %eq3A_800, %sub3A_802, %add3A_805 : i32
      %multiple_of3A_807 = tpu.assume_multiple %select_n3A_806, 128 : i32
      %dma_wait3A_808 = tpu.memref_slice %arg2[%multiple_of3A, %multiple_of3A_807] : memref<64x100000xf32, #tpu.memory_space<hbm>> -> memref<8x3200xf32, #tpu.memory_space<hbm>>
      %dma_wait3A_809 = tpu.memref_slice %arg2[%multiple_of3A, %multiple_of3A_807] : memref<64x100000xf32, #tpu.memory_space<hbm>> -> memref<8x3200xf32, #tpu.memory_space<hbm>>
      tpu.wait_dma2 semaphore(%arg15 : memref<!tpu.dma_semaphore, #tpu.memory_space<semaphore_mem>>) src(%dma_wait3A_809 : memref<8x3200xf32, #tpu.memory_space<hbm>>) dst(%arg8 : memref<8x3200xf32, #tpu.memory_space<vmem>>)
      %add3A_810 = arith.constant 1 : i32
      %add3A_811 = arith.addi %mul3A_739, %add3A_810 : i32
      %eq3A_812 = arith.constant 7 : i32
      %eq3A_813 = arith.cmpi eq, %add3A_811, %eq3A_812 : i32
      %sub3A_814 = arith.constant 3200 : i32
      %sub3A_815 = arith.subi %select_n3A_43, %sub3A_814 : i32
      %mul3A_816 = arith.constant 3200 : i32
      %mul3A_817 = arith.muli %add3A_811, %mul3A_816 : i32
      %add3A_818 = arith.addi %multiple_of3A_35, %mul3A_817 : i32
      %select_n3A_819 = arith.select %eq3A_813, %sub3A_815, %add3A_818 : i32
      %multiple_of3A_820 = tpu.assume_multiple %select_n3A_819, 128 : i32
      %jit3A_821 = arith.constant 16 : i32
      %div3A_822 = arith.divsi %multiple_of3A_820, %jit3A_821 : i32
      %sign3A_823 = arith.constant 0 : i32
      %sign3A_824 = arith.cmpi sgt, %multiple_of3A_820, %sign3A_823 : i32
      %sign3A_825 = arith.extui %sign3A_824 : i1 to i32
      %sign3A_826 = arith.constant 0 : i32
      %sign3A_827 = arith.cmpi slt, %multiple_of3A_820, %sign3A_826 : i32
      %sign3A_828 = arith.extui %sign3A_827 : i1 to i32
      %sign3A_829 = arith.subi %sign3A_825, %sign3A_828 : i32
      %sign3A_830 = arith.constant 0 : i32
      %sign3A_831 = arith.cmpi sgt, %jit3A_821, %sign3A_830 : i32
      %sign3A_832 = arith.extui %sign3A_831 : i1 to i32
      %sign3A_833 = arith.constant 0 : i32
      %sign3A_834 = arith.cmpi slt, %jit3A_821, %sign3A_833 : i32
      %sign3A_835 = arith.extui %sign3A_834 : i1 to i32
      %sign3A_836 = arith.subi %sign3A_832, %sign3A_835 : i32
      %ne3A_837 = arith.cmpi ne, %sign3A_829, %sign3A_836 : i32
      %rem3A_838 = arith.remsi %multiple_of3A_820, %jit3A_821 : i32
      %ne3A_839 = arith.constant 0 : i32
      %ne3A_840 = arith.cmpi ne, %rem3A_838, %ne3A_839 : i32
      %and3A_841 = arith.andi %ne3A_837, %ne3A_840 : i1
      %sub3A_842 = arith.constant 1 : i32
      %sub3A_843 = arith.subi %div3A_822, %sub3A_842 : i32
      %select_n3A_844 = arith.select %and3A_841, %sub3A_843, %div3A_822 : i32
      %scan3A_845 = arith.constant 0 : i32
      %scan3A_846 = arith.constant 200 : i32
      %scan3A_847 = arith.addi %scan3A_845, %scan3A_846 : i32
      %scan3A_848 = arith.constant 1 : i32
      %scan3A_849:16 = scf.for %scan3A_858 = %scan3A_845 to %scan3A_847 step %scan3A_848 iter_args(%scan3A_859 = %scan3A_788#0, %scan3A_860 = %scan3A_788#1, %scan3A_861 = %scan3A_788#2, %scan3A_862 = %scan3A_788#3, %scan3A_863 = %scan3A_788#4, %scan3A_864 = %scan3A_788#5, %scan3A_865 = %scan3A_788#6, %scan3A_866 = %scan3A_788#7, %scan3A_867 = %scan3A_788#8, %scan3A_868 = %scan3A_788#9, %scan3A_869 = %scan3A_788#10, %scan3A_870 = %scan3A_788#11, %scan3A_871 = %scan3A_788#12, %scan3A_872 = %scan3A_788#13, %scan3A_873 = %scan3A_788#14, %scan3A_874 = %scan3A_788#15) -> (vector<16xf32>, vector<16xi32>, vector<16xf32>, vector<16xi32>, vector<16xf32>, vector<16xi32>, vector<16xf32>, vector<16xi32>, vector<16xf32>, vector<16xi32>, vector<16xf32>, vector<16xi32>, vector<16xf32>, vector<16xi32>, vector<16xf32>, vector<16xi32>)  : i32 {
        %broadcast_in_dim3A_875 = arith.constant 0 : i32
        %broadcast_in_dim3A_876 = vector.broadcast %broadcast_in_dim3A_875 : i32 to vector<16xi32>
        %add3A_877 = arith.addi %select_n3A_844, %scan3A_858 : i32
        %add3A_878 = vector.broadcast %add3A_877 : i32 to vector<16xi32>
        %add3A_879 = arith.addi %broadcast_in_dim3A_876, %add3A_878 : vector<16xi32>
        %mul3A_880 = arith.constant 16 : i32
        %mul3A_881 = arith.muli %scan3A_858, %mul3A_880 : i32
        %get3A_882 = arith.constant 0 : i32
        %get3A_883 = arith.index_cast %get3A_882 : i32 to index
        %get3A_884 = arith.index_cast %mul3A_881 : i32 to index
        %get3A_885 = tpu.vector_load %arg8[%get3A_883, %get3A_884] {strides = array<i32>} : memref<8x3200xf32, #tpu.memory_space<vmem>>, vector<16xf32>,
        %gt3A_886 = arith.cmpf ogt, %get3A_885, %scan3A_859 : vector<16xf32>
        %select_n3A_887 = arith.select %gt3A_886, %get3A_885, %scan3A_859 : vector<16xi1>, vector<16xf32>
        %select_n3A_888 = arith.select %gt3A_886, %add3A_879, %scan3A_860 : vector<16xi1>, vector<16xi32>
        %mul3A_889 = arith.constant 16 : i32
        %mul3A_890 = arith.muli %scan3A_858, %mul3A_889 : i32
        %get3A_891 = arith.constant 1 : i32
        %get3A_892 = arith.index_cast %get3A_891 : i32 to index
        %get3A_893 = arith.index_cast %mul3A_890 : i32 to index
        %get3A_894 = tpu.vector_load %arg8[%get3A_892, %get3A_893] {strides = array<i32>} : memref<8x3200xf32, #tpu.memory_space<vmem>>, vector<16xf32>,
        %gt3A_895 = arith.cmpf ogt, %get3A_894, %scan3A_861 : vector<16xf32>
        %select_n3A_896 = arith.select %gt3A_895, %get3A_894, %scan3A_861 : vector<16xi1>, vector<16xf32>
        %select_n3A_897 = arith.select %gt3A_895, %add3A_879, %scan3A_862 : vector<16xi1>, vector<16xi32>
        %mul3A_898 = arith.constant 16 : i32
        %mul3A_899 = arith.muli %scan3A_858, %mul3A_898 : i32
        %get3A_900 = arith.constant 2 : i32
        %get3A_901 = arith.index_cast %get3A_900 : i32 to index
        %get3A_902 = arith.index_cast %mul3A_899 : i32 to index
        %get3A_903 = tpu.vector_load %arg8[%get3A_901, %get3A_902] {strides = array<i32>} : memref<8x3200xf32, #tpu.memory_space<vmem>>, vector<16xf32>,
        %gt3A_904 = arith.cmpf ogt, %get3A_903, %scan3A_863 : vector<16xf32>
        %select_n3A_905 = arith.select %gt3A_904, %get3A_903, %scan3A_863 : vector<16xi1>, vector<16xf32>
        %select_n3A_906 = arith.select %gt3A_904, %add3A_879, %scan3A_864 : vector<16xi1>, vector<16xi32>
        %mul3A_907 = arith.constant 16 : i32
        %mul3A_908 = arith.muli %scan3A_858, %mul3A_907 : i32
        %get3A_909 = arith.constant 3 : i32
        %get3A_910 = arith.index_cast %get3A_909 : i32 to index
        %get3A_911 = arith.index_cast %mul3A_908 : i32 to index
        %get3A_912 = tpu.vector_load %arg8[%get3A_910, %get3A_911] {strides = array<i32>} : memref<8x3200xf32, #tpu.memory_space<vmem>>, vector<16xf32>,
        %gt3A_913 = arith.cmpf ogt, %get3A_912, %scan3A_865 : vector<16xf32>
        %select_n3A_914 = arith.select %gt3A_913, %get3A_912, %scan3A_865 : vector<16xi1>, vector<16xf32>
        %select_n3A_915 = arith.select %gt3A_913, %add3A_879, %scan3A_866 : vector<16xi1>, vector<16xi32>
        %mul3A_916 = arith.constant 16 : i32
        %mul3A_917 = arith.muli %scan3A_858, %mul3A_916 : i32
        %get3A_918 = arith.constant 4 : i32
        %get3A_919 = arith.index_cast %get3A_918 : i32 to index
        %get3A_920 = arith.index_cast %mul3A_917 : i32 to index
        %get3A_921 = tpu.vector_load %arg8[%get3A_919, %get3A_920] {strides = array<i32>} : memref<8x3200xf32, #tpu.memory_space<vmem>>, vector<16xf32>,
        %gt3A_922 = arith.cmpf ogt, %get3A_921, %scan3A_867 : vector<16xf32>
        %select_n3A_923 = arith.select %gt3A_922, %get3A_921, %scan3A_867 : vector<16xi1>, vector<16xf32>
        %select_n3A_924 = arith.select %gt3A_922, %add3A_879, %scan3A_868 : vector<16xi1>, vector<16xi32>
        %mul3A_925 = arith.constant 16 : i32
        %mul3A_926 = arith.muli %scan3A_858, %mul3A_925 : i32
        %get3A_927 = arith.constant 5 : i32
        %get3A_928 = arith.index_cast %get3A_927 : i32 to index
        %get3A_929 = arith.index_cast %mul3A_926 : i32 to index
        %get3A_930 = tpu.vector_load %arg8[%get3A_928, %get3A_929] {strides = array<i32>} : memref<8x3200xf32, #tpu.memory_space<vmem>>, vector<16xf32>,
        %gt3A_931 = arith.cmpf ogt, %get3A_930, %scan3A_869 : vector<16xf32>
        %select_n3A_932 = arith.select %gt3A_931, %get3A_930, %scan3A_869 : vector<16xi1>, vector<16xf32>
        %select_n3A_933 = arith.select %gt3A_931, %add3A_879, %scan3A_870 : vector<16xi1>, vector<16xi32>
        %mul3A_934 = arith.constant 16 : i32
        %mul3A_935 = arith.muli %scan3A_858, %mul3A_934 : i32
        %get3A_936 = arith.constant 6 : i32
        %get3A_937 = arith.index_cast %get3A_936 : i32 to index
        %get3A_938 = arith.index_cast %mul3A_935 : i32 to index
        %get3A_939 = tpu.vector_load %arg8[%get3A_937, %get3A_938] {strides = array<i32>} : memref<8x3200xf32, #tpu.memory_space<vmem>>, vector<16xf32>,
        %gt3A_940 = arith.cmpf ogt, %get3A_939, %scan3A_871 : vector<16xf32>
        %select_n3A_941 = arith.select %gt3A_940, %get3A_939, %scan3A_871 : vector<16xi1>, vector<16xf32>
        %select_n3A_942 = arith.select %gt3A_940, %add3A_879, %scan3A_872 : vector<16xi1>, vector<16xi32>
        %mul3A_943 = arith.constant 16 : i32
        %mul3A_944 = arith.muli %scan3A_858, %mul3A_943 : i32
        %get3A_945 = arith.constant 7 : i32
        %get3A_946 = arith.index_cast %get3A_945 : i32 to index
        %get3A_947 = arith.index_cast %mul3A_944 : i32 to index
        %get3A_948 = tpu.vector_load %arg8[%get3A_946, %get3A_947] {strides = array<i32>} : memref<8x3200xf32, #tpu.memory_space<vmem>>, vector<16xf32>,
        %gt3A_949 = arith.cmpf ogt, %get3A_948, %scan3A_873 : vector<16xf32>
        %select_n3A_950 = arith.select %gt3A_949, %get3A_948, %scan3A_873 : vector<16xi1>, vector<16xf32>
        %select_n3A_951 = arith.select %gt3A_949, %add3A_879, %scan3A_874 : vector<16xi1>, vector<16xi32>
        scf.yield %select_n3A_887, %select_n3A_888, %select_n3A_896, %select_n3A_897, %select_n3A_905, %select_n3A_906, %select_n3A_914, %select_n3A_915, %select_n3A_923, %select_n3A_924, %select_n3A_932, %select_n3A_933, %select_n3A_941, %select_n3A_942, %select_n3A_950, %select_n3A_951 : vector<16xf32>, vector<16xi32>, vector<16xf32>, vector<16xi32>, vector<16xf32>, vector<16xi32>, vector<16xf32>, vector<16xi32>, vector<16xf32>, vector<16xi32>, vector<16xf32>, vector<16xi32>, vector<16xf32>, vector<16xi32>, vector<16xf32>, vector<16xi32>
      }
      %scan3A_850 = arith.constant 200 : i32
      %add3A_851 = arith.constant 3 : i32
      %add3A_852 = arith.addi %mul3A_739, %add3A_851 : i32
      %lt3A_853 = arith.constant 8 : i32
      %lt3A_854 = arith.cmpi slt, %add3A_852, %lt3A_853 : i32
      %convert_element_type3A_855 = arith.extui %lt3A_854 : i1 to i32
      %cond3A_856 = arith.constant 0 : i32
      %cond3A_857 = arith.cmpi ne, %convert_element_type3A_855, %cond3A_856 : i32
      scf.if %cond3A_857 {
        %add3A_858 = arith.constant 3 : i32
        %add3A_859 = arith.addi %mul3A_739, %add3A_858 : i32
        %eq3A_860 = arith.constant 7 : i32
        %eq3A_861 = arith.cmpi eq, %add3A_859, %eq3A_860 : i32
        %sub3A_862 = arith.constant 3200 : i32
        %sub3A_863 = arith.subi %select_n3A_43, %sub3A_862 : i32
        %mul3A_864 = arith.constant 3200 : i32
        %mul3A_865 = arith.muli %add3A_859, %mul3A_864 : i32
        %add3A_866 = arith.addi %multiple_of3A_35, %mul3A_865 : i32
        %select_n3A_867 = arith.select %eq3A_861, %sub3A_863, %add3A_866 : i32
        %multiple_of3A_868 = tpu.assume_multiple %select_n3A_867, 128 : i32
        %dma_start3A_869 = tpu.memref_slice %arg2[%multiple_of3A, %multiple_of3A_868] : memref<64x100000xf32, #tpu.memory_space<hbm>> -> memref<8x3200xf32, #tpu.memory_space<hbm>>
        %dma_start3A_870 = tpu.memref_slice %arg2[%multiple_of3A, %multiple_of3A_868] : memref<64x100000xf32, #tpu.memory_space<hbm>> -> memref<8x3200xf32, #tpu.memory_space<hbm>>
        tpu.enqueue_dma source(%dma_start3A_870 : memref<8x3200xf32, #tpu.memory_space<hbm>>) target(%arg8 : memref<8x3200xf32, #tpu.memory_space<vmem>>) target_semaphore(%arg15 : memref<!tpu.dma_semaphore, #tpu.memory_space<semaphore_mem>>)
      } else {
      }
      scf.yield %scan3A_849#0, %scan3A_849#1, %scan3A_849#2, %scan3A_849#3, %scan3A_849#4, %scan3A_849#5, %scan3A_849#6, %scan3A_849#7, %scan3A_849#8, %scan3A_849#9, %scan3A_849#10, %scan3A_849#11, %scan3A_849#12, %scan3A_849#13, %scan3A_849#14, %scan3A_849#15 : vector<16xf32>, vector<16xi32>, vector<16xf32>, vector<16xi32>, vector<16xf32>, vector<16xi32>, vector<16xf32>, vector<16xi32>, vector<16xf32>, vector<16xi32>, vector<16xf32>, vector<16xi32>, vector<16xf32>, vector<16xi32>, vector<16xf32>, vector<16xi32>
    }
    %scan3A_100 = arith.constant 4 : i32
    %dma_wait3A = arith.constant 0 : i32
    %dma_wait3A_101 = tpu.memref_slice %arg3[%multiple_of3A, %dma_wait3A] : memref<64x32xf32, #tpu.memory_space<hbm>> -> memref<8x32xf32, #tpu.memory_space<hbm>>
    %dma_wait3A_102 = arith.constant 0 : i32
    %dma_wait3A_103 = tpu.memref_slice %arg3[%multiple_of3A, %dma_wait3A_102] : memref<64x32xf32, #tpu.memory_space<hbm>> -> memref<8x32xf32, #tpu.memory_space<hbm>>
    tpu.wait_dma2 semaphore(%arg16 : memref<!tpu.dma_semaphore, #tpu.memory_space<semaphore_mem>>) src(%dma_wait3A_103 : memref<8x32xf32, #tpu.memory_space<hbm>>) dst(%arg9 : memref<8x32xf32, #tpu.memory_space<vmem>>)
    %broadcast_in_dim3A_104 = arith.constant 0.000000e+00 : f32
    %broadcast_in_dim3A_105 = vector.broadcast %broadcast_in_dim3A_104 : f32 to vector<16xf32>
    %broadcast_in_dim3A_106 = arith.constant 0 : i32
    %broadcast_in_dim3A_107 = vector.broadcast %broadcast_in_dim3A_106 : i32 to vector<16xi32>
    %get3A = arith.constant 0 : i32
    %get3A_108 = arith.index_cast %get3A : i32 to index
    %get3A_109 = arith.constant 0 : index
    %get3A_110 = tpu.vector_load %arg9[%get3A_108, %get3A_109] {strides = array<i32>} : memref<8x32xf32, #tpu.memory_space<vmem>>, vector<16xf32>,
    %broadcast_in_dim3A_111 = arith.constant 0 : i32
    %broadcast_in_dim3A_112 = vector.broadcast %broadcast_in_dim3A_111 : i32 to vector<16xi32>
    %add3A_113 = arith.constant 6248 : i32
    %add3A_114 = vector.broadcast %add3A_113 : i32 to vector<16xi32>
    %add3A_115 = arith.addi %broadcast_in_dim3A_112, %add3A_114 : vector<16xi32>
    %gt3A = arith.cmpf ogt, %get3A_110, %scan3A_99#0 : vector<16xf32>
    %select_n3A_116 = arith.select %gt3A, %get3A_110, %scan3A_99#0 : vector<16xi1>, vector<16xf32>
    %select_n3A_117 = arith.select %gt3A, %add3A_115, %scan3A_99#1 : vector<16xi1>, vector<16xi32>
    %get3A_118 = arith.constant 0 : i32
    %get3A_119 = arith.index_cast %get3A_118 : i32 to index
    %get3A_120 = arith.constant 16 : index
    %get3A_121 = tpu.vector_load %arg9[%get3A_119, %get3A_120] {strides = array<i32>} : memref<8x32xf32, #tpu.memory_space<vmem>>, vector<16xf32>,
    %broadcast_in_dim3A_122 = arith.constant 0 : i32
    %broadcast_in_dim3A_123 = vector.broadcast %broadcast_in_dim3A_122 : i32 to vector<16xi32>
    %add3A_124 = arith.constant 6249 : i32
    %add3A_125 = vector.broadcast %add3A_124 : i32 to vector<16xi32>
    %add3A_126 = arith.addi %broadcast_in_dim3A_123, %add3A_125 : vector<16xi32>
    %gt3A_127 = arith.cmpf ogt, %get3A_121, %select_n3A_116 : vector<16xf32>
    %select_n3A_128 = arith.select %gt3A_127, %get3A_121, %select_n3A_116 : vector<16xi1>, vector<16xf32>
    %select_n3A_129 = arith.select %gt3A_127, %add3A_126, %select_n3A_117 : vector<16xi1>, vector<16xi32>
    %mul3A_130 = arith.constant 16 : i32
    %mul3A_131 = vector.broadcast %mul3A_130 : i32 to vector<16xi32>
    %mul3A_132 = arith.muli %select_n3A_129, %mul3A_131 : vector<16xi32>
    %add3A_133 = arith.addi %mul3A_132, %iota3A : vector<16xi32>
    %broadcast_in_dim3A_134 = arith.constant true
    %broadcast_in_dim3A_135 = vector.broadcast %broadcast_in_dim3A_134 : i1 to vector<16xi1>
    %masked_cummax3A = tpu.scan <max>, %select_n3A_128 masked %broadcast_in_dim3A_135 : vector<16xf32>, vector<16xi1> -> vector<16xf32>
    %rev3A = arith.constant 15 : i32
    %rev3A_136 = vector.broadcast %rev3A : i32 to vector<16xi32>
    %rev3A_137 = tpu.iota {dimensions = array<i32: 0>} : vector<16xi32>
    %rev3A_138 = arith.subi %rev3A_136, %rev3A_137 : vector<16xi32>
    %rev3A_139 = tpu.dynamic_gather %masked_cummax3A[%rev3A_138] in [0] : vector<16xf32>, vector<16xi32> -> vector<16xf32>
    %broadcast_in_dim3A_140 = arith.constant true
    %broadcast_in_dim3A_141 = vector.broadcast %broadcast_in_dim3A_140 : i1 to vector<16xi1>
    %masked_cummax3A_142 = tpu.scan <max>, %rev3A_139 masked %broadcast_in_dim3A_141 : vector<16xf32>, vector<16xi1> -> vector<16xf32>
    %eq3A_143 = arith.cmpf oeq, %select_n3A_128, %masked_cummax3A_142 : vector<16xf32>
    %jit3A_144 = arith.constant 2147483647 : i32
    %broadcast_in_dim3A_145 = vector.broadcast %jit3A_144 : i32 to vector<16xi32>
    %select_n3A_146 = arith.select %eq3A_143, %add3A_133, %broadcast_in_dim3A_145 : vector<16xi1>, vector<16xi32>
    %neg3A = arith.constant 0 : i32
    %neg3A_147 = vector.broadcast %neg3A : i32 to vector<16xi32>
    %neg3A_148 = arith.subi %neg3A_147, %select_n3A_146 : vector<16xi32>
    %broadcast_in_dim3A_149 = arith.constant true
    %broadcast_in_dim3A_150 = vector.broadcast %broadcast_in_dim3A_149 : i1 to vector<16xi1>
    %masked_cummax3A_151 = arith.constant -2147483648 : i32
    %masked_cummax3A_152 = vector.broadcast %masked_cummax3A_151 : i32 to vector<16xi32>
    %masked_cummax3A_153 = arith.xori %neg3A_148, %masked_cummax3A_152 : vector<16xi32>
    %masked_cummax3A_154 = tpu.scan <max>, %masked_cummax3A_153 masked %broadcast_in_dim3A_150 : vector<16xi32>, vector<16xi1> -> vector<16xi32>
    %masked_cummax3A_155 = arith.xori %masked_cummax3A_154, %masked_cummax3A_152 : vector<16xi32>
    %rev3A_156 = arith.constant 15 : i32
    %rev3A_157 = vector.broadcast %rev3A_156 : i32 to vector<16xi32>
    %rev3A_158 = tpu.iota {dimensions = array<i32: 0>} : vector<16xi32>
    %rev3A_159 = arith.subi %rev3A_157, %rev3A_158 : vector<16xi32>
    %rev3A_160 = tpu.dynamic_gather %masked_cummax3A_155[%rev3A_159] in [0] : vector<16xi32>, vector<16xi32> -> vector<16xi32>
    %broadcast_in_dim3A_161 = arith.constant true
    %broadcast_in_dim3A_162 = vector.broadcast %broadcast_in_dim3A_161 : i1 to vector<16xi1>
    %masked_cummax3A_163 = arith.constant -2147483648 : i32
    %masked_cummax3A_164 = vector.broadcast %masked_cummax3A_163 : i32 to vector<16xi32>
    %masked_cummax3A_165 = arith.xori %rev3A_160, %masked_cummax3A_164 : vector<16xi32>
    %masked_cummax3A_166 = tpu.scan <max>, %masked_cummax3A_165 masked %broadcast_in_dim3A_162 : vector<16xi32>, vector<16xi1> -> vector<16xi32>
    %masked_cummax3A_167 = arith.xori %masked_cummax3A_166, %masked_cummax3A_164 : vector<16xi32>
    %neg3A_168 = arith.constant 0 : i32
    %neg3A_169 = vector.broadcast %neg3A_168 : i32 to vector<16xi32>
    %neg3A_170 = arith.subi %neg3A_169, %masked_cummax3A_167 : vector<16xi32>
    %eq3A_171 = arith.constant 0 : i32
    %eq3A_172 = vector.broadcast %eq3A_171 : i32 to vector<16xi32>
    %eq3A_173 = arith.cmpi eq, %iota3A, %eq3A_172 : vector<16xi32>
    %select_n3A_174 = arith.select %eq3A_173, %masked_cummax3A_142, %broadcast_in_dim3A_105 : vector<16xi1>, vector<16xf32>
    %eq3A_175 = arith.constant 0 : i32
    %eq3A_176 = vector.broadcast %eq3A_175 : i32 to vector<16xi32>
    %eq3A_177 = arith.cmpi eq, %iota3A, %eq3A_176 : vector<16xi32>
    %select_n3A_178 = arith.select %eq3A_177, %neg3A_170, %broadcast_in_dim3A_107 : vector<16xi1>, vector<16xi32>
    %get3A_179 = arith.constant 1 : i32
    %get3A_180 = arith.index_cast %get3A_179 : i32 to index
    %get3A_181 = arith.constant 0 : index
    %get3A_182 = tpu.vector_load %arg9[%get3A_180, %get3A_181] {strides = array<i32>} : memref<8x32xf32, #tpu.memory_space<vmem>>, vector<16xf32>,
    %broadcast_in_dim3A_183 = arith.constant 0 : i32
    %broadcast_in_dim3A_184 = vector.broadcast %broadcast_in_dim3A_183 : i32 to vector<16xi32>
    %add3A_185 = arith.constant 6248 : i32
    %add3A_186 = vector.broadcast %add3A_185 : i32 to vector<16xi32>
    %add3A_187 = arith.addi %broadcast_in_dim3A_184, %add3A_186 : vector<16xi32>
    %gt3A_188 = arith.cmpf ogt, %get3A_182, %scan3A_99#2 : vector<16xf32>
    %select_n3A_189 = arith.select %gt3A_188, %get3A_182, %scan3A_99#2 : vector<16xi1>, vector<16xf32>
    %select_n3A_190 = arith.select %gt3A_188, %add3A_187, %scan3A_99#3 : vector<16xi1>, vector<16xi32>
    %get3A_191 = arith.constant 1 : i32
    %get3A_192 = arith.index_cast %get3A_191 : i32 to index
    %get3A_193 = arith.constant 16 : index
    %get3A_194 = tpu.vector_load %arg9[%get3A_192, %get3A_193] {strides = array<i32>} : memref<8x32xf32, #tpu.memory_space<vmem>>, vector<16xf32>,
    %broadcast_in_dim3A_195 = arith.constant 0 : i32
    %broadcast_in_dim3A_196 = vector.broadcast %broadcast_in_dim3A_195 : i32 to vector<16xi32>
    %add3A_197 = arith.constant 6249 : i32
    %add3A_198 = vector.broadcast %add3A_197 : i32 to vector<16xi32>
    %add3A_199 = arith.addi %broadcast_in_dim3A_196, %add3A_198 : vector<16xi32>
    %gt3A_200 = arith.cmpf ogt, %get3A_194, %select_n3A_189 : vector<16xf32>
    %select_n3A_201 = arith.select %gt3A_200, %get3A_194, %select_n3A_189 : vector<16xi1>, vector<16xf32>
    %select_n3A_202 = arith.select %gt3A_200, %add3A_199, %select_n3A_190 : vector<16xi1>, vector<16xi32>
    %mul3A_203 = arith.constant 16 : i32
    %mul3A_204 = vector.broadcast %mul3A_203 : i32 to vector<16xi32>
    %mul3A_205 = arith.muli %select_n3A_202, %mul3A_204 : vector<16xi32>
    %add3A_206 = arith.addi %mul3A_205, %iota3A : vector<16xi32>
    %broadcast_in_dim3A_207 = arith.constant true
    %broadcast_in_dim3A_208 = vector.broadcast %broadcast_in_dim3A_207 : i1 to vector<16xi1>
    %masked_cummax3A_209 = tpu.scan <max>, %select_n3A_201 masked %broadcast_in_dim3A_208 : vector<16xf32>, vector<16xi1> -> vector<16xf32>
    %rev3A_210 = arith.constant 15 : i32
    %rev3A_211 = vector.broadcast %rev3A_210 : i32 to vector<16xi32>
    %rev3A_212 = tpu.iota {dimensions = array<i32: 0>} : vector<16xi32>
    %rev3A_213 = arith.subi %rev3A_211, %rev3A_212 : vector<16xi32>
    %rev3A_214 = tpu.dynamic_gather %masked_cummax3A_209[%rev3A_213] in [0] : vector<16xf32>, vector<16xi32> -> vector<16xf32>
    %broadcast_in_dim3A_215 = arith.constant true
    %broadcast_in_dim3A_216 = vector.broadcast %broadcast_in_dim3A_215 : i1 to vector<16xi1>
    %masked_cummax3A_217 = tpu.scan <max>, %rev3A_214 masked %broadcast_in_dim3A_216 : vector<16xf32>, vector<16xi1> -> vector<16xf32>
    %eq3A_218 = arith.cmpf oeq, %select_n3A_201, %masked_cummax3A_217 : vector<16xf32>
    %jit3A_219 = arith.constant 2147483647 : i32
    %broadcast_in_dim3A_220 = vector.broadcast %jit3A_219 : i32 to vector<16xi32>
    %select_n3A_221 = arith.select %eq3A_218, %add3A_206, %broadcast_in_dim3A_220 : vector<16xi1>, vector<16xi32>
    %neg3A_222 = arith.constant 0 : i32
    %neg3A_223 = vector.broadcast %neg3A_222 : i32 to vector<16xi32>
    %neg3A_224 = arith.subi %neg3A_223, %select_n3A_221 : vector<16xi32>
    %broadcast_in_dim3A_225 = arith.constant true
    %broadcast_in_dim3A_226 = vector.broadcast %broadcast_in_dim3A_225 : i1 to vector<16xi1>
    %masked_cummax3A_227 = arith.constant -2147483648 : i32
    %masked_cummax3A_228 = vector.broadcast %masked_cummax3A_227 : i32 to vector<16xi32>
    %masked_cummax3A_229 = arith.xori %neg3A_224, %masked_cummax3A_228 : vector<16xi32>
    %masked_cummax3A_230 = tpu.scan <max>, %masked_cummax3A_229 masked %broadcast_in_dim3A_226 : vector<16xi32>, vector<16xi1> -> vector<16xi32>
    %masked_cummax3A_231 = arith.xori %masked_cummax3A_230, %masked_cummax3A_228 : vector<16xi32>
    %rev3A_232 = arith.constant 15 : i32
    %rev3A_233 = vector.broadcast %rev3A_232 : i32 to vector<16xi32>
    %rev3A_234 = tpu.iota {dimensions = array<i32: 0>} : vector<16xi32>
    %rev3A_235 = arith.subi %rev3A_233, %rev3A_234 : vector<16xi32>
    %rev3A_236 = tpu.dynamic_gather %masked_cummax3A_231[%rev3A_235] in [0] : vector<16xi32>, vector<16xi32> -> vector<16xi32>
    %broadcast_in_dim3A_237 = arith.constant true
    %broadcast_in_dim3A_238 = vector.broadcast %broadcast_in_dim3A_237 : i1 to vector<16xi1>
    %masked_cummax3A_239 = arith.constant -2147483648 : i32
    %masked_cummax3A_240 = vector.broadcast %masked_cummax3A_239 : i32 to vector<16xi32>
    %masked_cummax3A_241 = arith.xori %rev3A_236, %masked_cummax3A_240 : vector<16xi32>
    %masked_cummax3A_242 = tpu.scan <max>, %masked_cummax3A_241 masked %broadcast_in_dim3A_238 : vector<16xi32>, vector<16xi1> -> vector<16xi32>
    %masked_cummax3A_243 = arith.xori %masked_cummax3A_242, %masked_cummax3A_240 : vector<16xi32>
    %neg3A_244 = arith.constant 0 : i32
    %neg3A_245 = vector.broadcast %neg3A_244 : i32 to vector<16xi32>
    %neg3A_246 = arith.subi %neg3A_245, %masked_cummax3A_243 : vector<16xi32>
    %eq3A_247 = arith.constant 1 : i32
    %eq3A_248 = vector.broadcast %eq3A_247 : i32 to vector<16xi32>
    %eq3A_249 = arith.cmpi eq, %iota3A, %eq3A_248 : vector<16xi32>
    %select_n3A_250 = arith.select %eq3A_249, %masked_cummax3A_217, %select_n3A_174 : vector<16xi1>, vector<16xf32>
    %eq3A_251 = arith.constant 1 : i32
    %eq3A_252 = vector.broadcast %eq3A_251 : i32 to vector<16xi32>
    %eq3A_253 = arith.cmpi eq, %iota3A, %eq3A_252 : vector<16xi32>
    %select_n3A_254 = arith.select %eq3A_253, %neg3A_246, %select_n3A_178 : vector<16xi1>, vector<16xi32>
    %get3A_255 = arith.constant 2 : i32
    %get3A_256 = arith.index_cast %get3A_255 : i32 to index
    %get3A_257 = arith.constant 0 : index
    %get3A_258 = tpu.vector_load %arg9[%get3A_256, %get3A_257] {strides = array<i32>} : memref<8x32xf32, #tpu.memory_space<vmem>>, vector<16xf32>,
    %broadcast_in_dim3A_259 = arith.constant 0 : i32
    %broadcast_in_dim3A_260 = vector.broadcast %broadcast_in_dim3A_259 : i32 to vector<16xi32>
    %add3A_261 = arith.constant 6248 : i32
    %add3A_262 = vector.broadcast %add3A_261 : i32 to vector<16xi32>
    %add3A_263 = arith.addi %broadcast_in_dim3A_260, %add3A_262 : vector<16xi32>
    %gt3A_264 = arith.cmpf ogt, %get3A_258, %scan3A_99#4 : vector<16xf32>
    %select_n3A_265 = arith.select %gt3A_264, %get3A_258, %scan3A_99#4 : vector<16xi1>, vector<16xf32>
    %select_n3A_266 = arith.select %gt3A_264, %add3A_263, %scan3A_99#5 : vector<16xi1>, vector<16xi32>
    %get3A_267 = arith.constant 2 : i32
    %get3A_268 = arith.index_cast %get3A_267 : i32 to index
    %get3A_269 = arith.constant 16 : index
    %get3A_270 = tpu.vector_load %arg9[%get3A_268, %get3A_269] {strides = array<i32>} : memref<8x32xf32, #tpu.memory_space<vmem>>, vector<16xf32>,
    %broadcast_in_dim3A_271 = arith.constant 0 : i32
    %broadcast_in_dim3A_272 = vector.broadcast %broadcast_in_dim3A_271 : i32 to vector<16xi32>
    %add3A_273 = arith.constant 6249 : i32
    %add3A_274 = vector.broadcast %add3A_273 : i32 to vector<16xi32>
    %add3A_275 = arith.addi %broadcast_in_dim3A_272, %add3A_274 : vector<16xi32>
    %gt3A_276 = arith.cmpf ogt, %get3A_270, %select_n3A_265 : vector<16xf32>
    %select_n3A_277 = arith.select %gt3A_276, %get3A_270, %select_n3A_265 : vector<16xi1>, vector<16xf32>
    %select_n3A_278 = arith.select %gt3A_276, %add3A_275, %select_n3A_266 : vector<16xi1>, vector<16xi32>
    %mul3A_279 = arith.constant 16 : i32
    %mul3A_280 = vector.broadcast %mul3A_279 : i32 to vector<16xi32>
    %mul3A_281 = arith.muli %select_n3A_278, %mul3A_280 : vector<16xi32>
    %add3A_282 = arith.addi %mul3A_281, %iota3A : vector<16xi32>
    %broadcast_in_dim3A_283 = arith.constant true
    %broadcast_in_dim3A_284 = vector.broadcast %broadcast_in_dim3A_283 : i1 to vector<16xi1>
    %masked_cummax3A_285 = tpu.scan <max>, %select_n3A_277 masked %broadcast_in_dim3A_284 : vector<16xf32>, vector<16xi1> -> vector<16xf32>
    %rev3A_286 = arith.constant 15 : i32
    %rev3A_287 = vector.broadcast %rev3A_286 : i32 to vector<16xi32>
    %rev3A_288 = tpu.iota {dimensions = array<i32: 0>} : vector<16xi32>
    %rev3A_289 = arith.subi %rev3A_287, %rev3A_288 : vector<16xi32>
    %rev3A_290 = tpu.dynamic_gather %masked_cummax3A_285[%rev3A_289] in [0] : vector<16xf32>, vector<16xi32> -> vector<16xf32>
    %broadcast_in_dim3A_291 = arith.constant true
    %broadcast_in_dim3A_292 = vector.broadcast %broadcast_in_dim3A_291 : i1 to vector<16xi1>
    %masked_cummax3A_293 = tpu.scan <max>, %rev3A_290 masked %broadcast_in_dim3A_292 : vector<16xf32>, vector<16xi1> -> vector<16xf32>
    %eq3A_294 = arith.cmpf oeq, %select_n3A_277, %masked_cummax3A_293 : vector<16xf32>
    %jit3A_295 = arith.constant 2147483647 : i32
    %broadcast_in_dim3A_296 = vector.broadcast %jit3A_295 : i32 to vector<16xi32>
    %select_n3A_297 = arith.select %eq3A_294, %add3A_282, %broadcast_in_dim3A_296 : vector<16xi1>, vector<16xi32>
    %neg3A_298 = arith.constant 0 : i32
    %neg3A_299 = vector.broadcast %neg3A_298 : i32 to vector<16xi32>
    %neg3A_300 = arith.subi %neg3A_299, %select_n3A_297 : vector<16xi32>
    %broadcast_in_dim3A_301 = arith.constant true
    %broadcast_in_dim3A_302 = vector.broadcast %broadcast_in_dim3A_301 : i1 to vector<16xi1>
    %masked_cummax3A_303 = arith.constant -2147483648 : i32
    %masked_cummax3A_304 = vector.broadcast %masked_cummax3A_303 : i32 to vector<16xi32>
    %masked_cummax3A_305 = arith.xori %neg3A_300, %masked_cummax3A_304 : vector<16xi32>
    %masked_cummax3A_306 = tpu.scan <max>, %masked_cummax3A_305 masked %broadcast_in_dim3A_302 : vector<16xi32>, vector<16xi1> -> vector<16xi32>
    %masked_cummax3A_307 = arith.xori %masked_cummax3A_306, %masked_cummax3A_304 : vector<16xi32>
    %rev3A_308 = arith.constant 15 : i32
    %rev3A_309 = vector.broadcast %rev3A_308 : i32 to vector<16xi32>
    %rev3A_310 = tpu.iota {dimensions = array<i32: 0>} : vector<16xi32>
    %rev3A_311 = arith.subi %rev3A_309, %rev3A_310 : vector<16xi32>
    %rev3A_312 = tpu.dynamic_gather %masked_cummax3A_307[%rev3A_311] in [0] : vector<16xi32>, vector<16xi32> -> vector<16xi32>
    %broadcast_in_dim3A_313 = arith.constant true
    %broadcast_in_dim3A_314 = vector.broadcast %broadcast_in_dim3A_313 : i1 to vector<16xi1>
    %masked_cummax3A_315 = arith.constant -2147483648 : i32
    %masked_cummax3A_316 = vector.broadcast %masked_cummax3A_315 : i32 to vector<16xi32>
    %masked_cummax3A_317 = arith.xori %rev3A_312, %masked_cummax3A_316 : vector<16xi32>
    %masked_cummax3A_318 = tpu.scan <max>, %masked_cummax3A_317 masked %broadcast_in_dim3A_314 : vector<16xi32>, vector<16xi1> -> vector<16xi32>
    %masked_cummax3A_319 = arith.xori %masked_cummax3A_318, %masked_cummax3A_316 : vector<16xi32>
    %neg3A_320 = arith.constant 0 : i32
    %neg3A_321 = vector.broadcast %neg3A_320 : i32 to vector<16xi32>
    %neg3A_322 = arith.subi %neg3A_321, %masked_cummax3A_319 : vector<16xi32>
    %eq3A_323 = arith.constant 2 : i32
    %eq3A_324 = vector.broadcast %eq3A_323 : i32 to vector<16xi32>
    %eq3A_325 = arith.cmpi eq, %iota3A, %eq3A_324 : vector<16xi32>
    %select_n3A_326 = arith.select %eq3A_325, %masked_cummax3A_293, %select_n3A_250 : vector<16xi1>, vector<16xf32>
    %eq3A_327 = arith.constant 2 : i32
    %eq3A_328 = vector.broadcast %eq3A_327 : i32 to vector<16xi32>
    %eq3A_329 = arith.cmpi eq, %iota3A, %eq3A_328 : vector<16xi32>
    %select_n3A_330 = arith.select %eq3A_329, %neg3A_322, %select_n3A_254 : vector<16xi1>, vector<16xi32>
    %get3A_331 = arith.constant 3 : i32
    %get3A_332 = arith.index_cast %get3A_331 : i32 to index
    %get3A_333 = arith.constant 0 : index
    %get3A_334 = tpu.vector_load %arg9[%get3A_332, %get3A_333] {strides = array<i32>} : memref<8x32xf32, #tpu.memory_space<vmem>>, vector<16xf32>,
    %broadcast_in_dim3A_335 = arith.constant 0 : i32
    %broadcast_in_dim3A_336 = vector.broadcast %broadcast_in_dim3A_335 : i32 to vector<16xi32>
    %add3A_337 = arith.constant 6248 : i32
    %add3A_338 = vector.broadcast %add3A_337 : i32 to vector<16xi32>
    %add3A_339 = arith.addi %broadcast_in_dim3A_336, %add3A_338 : vector<16xi32>
    %gt3A_340 = arith.cmpf ogt, %get3A_334, %scan3A_99#6 : vector<16xf32>
    %select_n3A_341 = arith.select %gt3A_340, %get3A_334, %scan3A_99#6 : vector<16xi1>, vector<16xf32>
    %select_n3A_342 = arith.select %gt3A_340, %add3A_339, %scan3A_99#7 : vector<16xi1>, vector<16xi32>
    %get3A_343 = arith.constant 3 : i32
    %get3A_344 = arith.index_cast %get3A_343 : i32 to index
    %get3A_345 = arith.constant 16 : index
    %get3A_346 = tpu.vector_load %arg9[%get3A_344, %get3A_345] {strides = array<i32>} : memref<8x32xf32, #tpu.memory_space<vmem>>, vector<16xf32>,
    %broadcast_in_dim3A_347 = arith.constant 0 : i32
    %broadcast_in_dim3A_348 = vector.broadcast %broadcast_in_dim3A_347 : i32 to vector<16xi32>
    %add3A_349 = arith.constant 6249 : i32
    %add3A_350 = vector.broadcast %add3A_349 : i32 to vector<16xi32>
    %add3A_351 = arith.addi %broadcast_in_dim3A_348, %add3A_350 : vector<16xi32>
    %gt3A_352 = arith.cmpf ogt, %get3A_346, %select_n3A_341 : vector<16xf32>
    %select_n3A_353 = arith.select %gt3A_352, %get3A_346, %select_n3A_341 : vector<16xi1>, vector<16xf32>
    %select_n3A_354 = arith.select %gt3A_352, %add3A_351, %select_n3A_342 : vector<16xi1>, vector<16xi32>
    %mul3A_355 = arith.constant 16 : i32
    %mul3A_356 = vector.broadcast %mul3A_355 : i32 to vector<16xi32>
    %mul3A_357 = arith.muli %select_n3A_354, %mul3A_356 : vector<16xi32>
    %add3A_358 = arith.addi %mul3A_357, %iota3A : vector<16xi32>
    %broadcast_in_dim3A_359 = arith.constant true
    %broadcast_in_dim3A_360 = vector.broadcast %broadcast_in_dim3A_359 : i1 to vector<16xi1>
    %masked_cummax3A_361 = tpu.scan <max>, %select_n3A_353 masked %broadcast_in_dim3A_360 : vector<16xf32>, vector<16xi1> -> vector<16xf32>
    %rev3A_362 = arith.constant 15 : i32
    %rev3A_363 = vector.broadcast %rev3A_362 : i32 to vector<16xi32>
    %rev3A_364 = tpu.iota {dimensions = array<i32: 0>} : vector<16xi32>
    %rev3A_365 = arith.subi %rev3A_363, %rev3A_364 : vector<16xi32>
    %rev3A_366 = tpu.dynamic_gather %masked_cummax3A_361[%rev3A_365] in [0] : vector<16xf32>, vector<16xi32> -> vector<16xf32>
    %broadcast_in_dim3A_367 = arith.constant true
    %broadcast_in_dim3A_368 = vector.broadcast %broadcast_in_dim3A_367 : i1 to vector<16xi1>
    %masked_cummax3A_369 = tpu.scan <max>, %rev3A_366 masked %broadcast_in_dim3A_368 : vector<16xf32>, vector<16xi1> -> vector<16xf32>
    %eq3A_370 = arith.cmpf oeq, %select_n3A_353, %masked_cummax3A_369 : vector<16xf32>
    %jit3A_371 = arith.constant 2147483647 : i32
    %broadcast_in_dim3A_372 = vector.broadcast %jit3A_371 : i32 to vector<16xi32>
    %select_n3A_373 = arith.select %eq3A_370, %add3A_358, %broadcast_in_dim3A_372 : vector<16xi1>, vector<16xi32>
    %neg3A_374 = arith.constant 0 : i32
    %neg3A_375 = vector.broadcast %neg3A_374 : i32 to vector<16xi32>
    %neg3A_376 = arith.subi %neg3A_375, %select_n3A_373 : vector<16xi32>
    %broadcast_in_dim3A_377 = arith.constant true
    %broadcast_in_dim3A_378 = vector.broadcast %broadcast_in_dim3A_377 : i1 to vector<16xi1>
    %masked_cummax3A_379 = arith.constant -2147483648 : i32
    %masked_cummax3A_380 = vector.broadcast %masked_cummax3A_379 : i32 to vector<16xi32>
    %masked_cummax3A_381 = arith.xori %neg3A_376, %masked_cummax3A_380 : vector<16xi32>
    %masked_cummax3A_382 = tpu.scan <max>, %masked_cummax3A_381 masked %broadcast_in_dim3A_378 : vector<16xi32>, vector<16xi1> -> vector<16xi32>
    %masked_cummax3A_383 = arith.xori %masked_cummax3A_382, %masked_cummax3A_380 : vector<16xi32>
    %rev3A_384 = arith.constant 15 : i32
    %rev3A_385 = vector.broadcast %rev3A_384 : i32 to vector<16xi32>
    %rev3A_386 = tpu.iota {dimensions = array<i32: 0>} : vector<16xi32>
    %rev3A_387 = arith.subi %rev3A_385, %rev3A_386 : vector<16xi32>
    %rev3A_388 = tpu.dynamic_gather %masked_cummax3A_383[%rev3A_387] in [0] : vector<16xi32>, vector<16xi32> -> vector<16xi32>
    %broadcast_in_dim3A_389 = arith.constant true
    %broadcast_in_dim3A_390 = vector.broadcast %broadcast_in_dim3A_389 : i1 to vector<16xi1>
    %masked_cummax3A_391 = arith.constant -2147483648 : i32
    %masked_cummax3A_392 = vector.broadcast %masked_cummax3A_391 : i32 to vector<16xi32>
    %masked_cummax3A_393 = arith.xori %rev3A_388, %masked_cummax3A_392 : vector<16xi32>
    %masked_cummax3A_394 = tpu.scan <max>, %masked_cummax3A_393 masked %broadcast_in_dim3A_390 : vector<16xi32>, vector<16xi1> -> vector<16xi32>
    %masked_cummax3A_395 = arith.xori %masked_cummax3A_394, %masked_cummax3A_392 : vector<16xi32>
    %neg3A_396 = arith.constant 0 : i32
    %neg3A_397 = vector.broadcast %neg3A_396 : i32 to vector<16xi32>
    %neg3A_398 = arith.subi %neg3A_397, %masked_cummax3A_395 : vector<16xi32>
    %eq3A_399 = arith.constant 3 : i32
    %eq3A_400 = vector.broadcast %eq3A_399 : i32 to vector<16xi32>
    %eq3A_401 = arith.cmpi eq, %iota3A, %eq3A_400 : vector<16xi32>
    %select_n3A_402 = arith.select %eq3A_401, %masked_cummax3A_369, %select_n3A_326 : vector<16xi1>, vector<16xf32>
    %eq3A_403 = arith.constant 3 : i32
    %eq3A_404 = vector.broadcast %eq3A_403 : i32 to vector<16xi32>
    %eq3A_405 = arith.cmpi eq, %iota3A, %eq3A_404 : vector<16xi32>
    %select_n3A_406 = arith.select %eq3A_405, %neg3A_398, %select_n3A_330 : vector<16xi1>, vector<16xi32>
    %get3A_407 = arith.constant 4 : i32
    %get3A_408 = arith.index_cast %get3A_407 : i32 to index
    %get3A_409 = arith.constant 0 : index
    %get3A_410 = tpu.vector_load %arg9[%get3A_408, %get3A_409] {strides = array<i32>} : memref<8x32xf32, #tpu.memory_space<vmem>>, vector<16xf32>,
    %broadcast_in_dim3A_411 = arith.constant 0 : i32
    %broadcast_in_dim3A_412 = vector.broadcast %broadcast_in_dim3A_411 : i32 to vector<16xi32>
    %add3A_413 = arith.constant 6248 : i32
    %add3A_414 = vector.broadcast %add3A_413 : i32 to vector<16xi32>
    %add3A_415 = arith.addi %broadcast_in_dim3A_412, %add3A_414 : vector<16xi32>
    %gt3A_416 = arith.cmpf ogt, %get3A_410, %scan3A_99#8 : vector<16xf32>
    %select_n3A_417 = arith.select %gt3A_416, %get3A_410, %scan3A_99#8 : vector<16xi1>, vector<16xf32>
    %select_n3A_418 = arith.select %gt3A_416, %add3A_415, %scan3A_99#9 : vector<16xi1>, vector<16xi32>
    %get3A_419 = arith.constant 4 : i32
    %get3A_420 = arith.index_cast %get3A_419 : i32 to index
    %get3A_421 = arith.constant 16 : index
    %get3A_422 = tpu.vector_load %arg9[%get3A_420, %get3A_421] {strides = array<i32>} : memref<8x32xf32, #tpu.memory_space<vmem>>, vector<16xf32>,
    %broadcast_in_dim3A_423 = arith.constant 0 : i32
    %broadcast_in_dim3A_424 = vector.broadcast %broadcast_in_dim3A_423 : i32 to vector<16xi32>
    %add3A_425 = arith.constant 6249 : i32
    %add3A_426 = vector.broadcast %add3A_425 : i32 to vector<16xi32>
    %add3A_427 = arith.addi %broadcast_in_dim3A_424, %add3A_426 : vector<16xi32>
    %gt3A_428 = arith.cmpf ogt, %get3A_422, %select_n3A_417 : vector<16xf32>
    %select_n3A_429 = arith.select %gt3A_428, %get3A_422, %select_n3A_417 : vector<16xi1>, vector<16xf32>
    %select_n3A_430 = arith.select %gt3A_428, %add3A_427, %select_n3A_418 : vector<16xi1>, vector<16xi32>
    %mul3A_431 = arith.constant 16 : i32
    %mul3A_432 = vector.broadcast %mul3A_431 : i32 to vector<16xi32>
    %mul3A_433 = arith.muli %select_n3A_430, %mul3A_432 : vector<16xi32>
    %add3A_434 = arith.addi %mul3A_433, %iota3A : vector<16xi32>
    %broadcast_in_dim3A_435 = arith.constant true
    %broadcast_in_dim3A_436 = vector.broadcast %broadcast_in_dim3A_435 : i1 to vector<16xi1>
    %masked_cummax3A_437 = tpu.scan <max>, %select_n3A_429 masked %broadcast_in_dim3A_436 : vector<16xf32>, vector<16xi1> -> vector<16xf32>
    %rev3A_438 = arith.constant 15 : i32
    %rev3A_439 = vector.broadcast %rev3A_438 : i32 to vector<16xi32>
    %rev3A_440 = tpu.iota {dimensions = array<i32: 0>} : vector<16xi32>
    %rev3A_441 = arith.subi %rev3A_439, %rev3A_440 : vector<16xi32>
    %rev3A_442 = tpu.dynamic_gather %masked_cummax3A_437[%rev3A_441] in [0] : vector<16xf32>, vector<16xi32> -> vector<16xf32>
    %broadcast_in_dim3A_443 = arith.constant true
    %broadcast_in_dim3A_444 = vector.broadcast %broadcast_in_dim3A_443 : i1 to vector<16xi1>
    %masked_cummax3A_445 = tpu.scan <max>, %rev3A_442 masked %broadcast_in_dim3A_444 : vector<16xf32>, vector<16xi1> -> vector<16xf32>
    %eq3A_446 = arith.cmpf oeq, %select_n3A_429, %masked_cummax3A_445 : vector<16xf32>
    %jit3A_447 = arith.constant 2147483647 : i32
    %broadcast_in_dim3A_448 = vector.broadcast %jit3A_447 : i32 to vector<16xi32>
    %select_n3A_449 = arith.select %eq3A_446, %add3A_434, %broadcast_in_dim3A_448 : vector<16xi1>, vector<16xi32>
    %neg3A_450 = arith.constant 0 : i32
    %neg3A_451 = vector.broadcast %neg3A_450 : i32 to vector<16xi32>
    %neg3A_452 = arith.subi %neg3A_451, %select_n3A_449 : vector<16xi32>
    %broadcast_in_dim3A_453 = arith.constant true
    %broadcast_in_dim3A_454 = vector.broadcast %broadcast_in_dim3A_453 : i1 to vector<16xi1>
    %masked_cummax3A_455 = arith.constant -2147483648 : i32
    %masked_cummax3A_456 = vector.broadcast %masked_cummax3A_455 : i32 to vector<16xi32>
    %masked_cummax3A_457 = arith.xori %neg3A_452, %masked_cummax3A_456 : vector<16xi32>
    %masked_cummax3A_458 = tpu.scan <max>, %masked_cummax3A_457 masked %broadcast_in_dim3A_454 : vector<16xi32>, vector<16xi1> -> vector<16xi32>
    %masked_cummax3A_459 = arith.xori %masked_cummax3A_458, %masked_cummax3A_456 : vector<16xi32>
    %rev3A_460 = arith.constant 15 : i32
    %rev3A_461 = vector.broadcast %rev3A_460 : i32 to vector<16xi32>
    %rev3A_462 = tpu.iota {dimensions = array<i32: 0>} : vector<16xi32>
    %rev3A_463 = arith.subi %rev3A_461, %rev3A_462 : vector<16xi32>
    %rev3A_464 = tpu.dynamic_gather %masked_cummax3A_459[%rev3A_463] in [0] : vector<16xi32>, vector<16xi32> -> vector<16xi32>
    %broadcast_in_dim3A_465 = arith.constant true
    %broadcast_in_dim3A_466 = vector.broadcast %broadcast_in_dim3A_465 : i1 to vector<16xi1>
    %masked_cummax3A_467 = arith.constant -2147483648 : i32
    %masked_cummax3A_468 = vector.broadcast %masked_cummax3A_467 : i32 to vector<16xi32>
    %masked_cummax3A_469 = arith.xori %rev3A_464, %masked_cummax3A_468 : vector<16xi32>
    %masked_cummax3A_470 = tpu.scan <max>, %masked_cummax3A_469 masked %broadcast_in_dim3A_466 : vector<16xi32>, vector<16xi1> -> vector<16xi32>
    %masked_cummax3A_471 = arith.xori %masked_cummax3A_470, %masked_cummax3A_468 : vector<16xi32>
    %neg3A_472 = arith.constant 0 : i32
    %neg3A_473 = vector.broadcast %neg3A_472 : i32 to vector<16xi32>
    %neg3A_474 = arith.subi %neg3A_473, %masked_cummax3A_471 : vector<16xi32>
    %eq3A_475 = arith.constant 4 : i32
    %eq3A_476 = vector.broadcast %eq3A_475 : i32 to vector<16xi32>
    %eq3A_477 = arith.cmpi eq, %iota3A, %eq3A_476 : vector<16xi32>
    %select_n3A_478 = arith.select %eq3A_477, %masked_cummax3A_445, %select_n3A_402 : vector<16xi1>, vector<16xf32>
    %eq3A_479 = arith.constant 4 : i32
    %eq3A_480 = vector.broadcast %eq3A_479 : i32 to vector<16xi32>
    %eq3A_481 = arith.cmpi eq, %iota3A, %eq3A_480 : vector<16xi32>
    %select_n3A_482 = arith.select %eq3A_481, %neg3A_474, %select_n3A_406 : vector<16xi1>, vector<16xi32>
    %get3A_483 = arith.constant 5 : i32
    %get3A_484 = arith.index_cast %get3A_483 : i32 to index
    %get3A_485 = arith.constant 0 : index
    %get3A_486 = tpu.vector_load %arg9[%get3A_484, %get3A_485] {strides = array<i32>} : memref<8x32xf32, #tpu.memory_space<vmem>>, vector<16xf32>,
    %broadcast_in_dim3A_487 = arith.constant 0 : i32
    %broadcast_in_dim3A_488 = vector.broadcast %broadcast_in_dim3A_487 : i32 to vector<16xi32>
    %add3A_489 = arith.constant 6248 : i32
    %add3A_490 = vector.broadcast %add3A_489 : i32 to vector<16xi32>
    %add3A_491 = arith.addi %broadcast_in_dim3A_488, %add3A_490 : vector<16xi32>
    %gt3A_492 = arith.cmpf ogt, %get3A_486, %scan3A_99#10 : vector<16xf32>
    %select_n3A_493 = arith.select %gt3A_492, %get3A_486, %scan3A_99#10 : vector<16xi1>, vector<16xf32>
    %select_n3A_494 = arith.select %gt3A_492, %add3A_491, %scan3A_99#11 : vector<16xi1>, vector<16xi32>
    %get3A_495 = arith.constant 5 : i32
    %get3A_496 = arith.index_cast %get3A_495 : i32 to index
    %get3A_497 = arith.constant 16 : index
    %get3A_498 = tpu.vector_load %arg9[%get3A_496, %get3A_497] {strides = array<i32>} : memref<8x32xf32, #tpu.memory_space<vmem>>, vector<16xf32>,
    %broadcast_in_dim3A_499 = arith.constant 0 : i32
    %broadcast_in_dim3A_500 = vector.broadcast %broadcast_in_dim3A_499 : i32 to vector<16xi32>
    %add3A_501 = arith.constant 6249 : i32
    %add3A_502 = vector.broadcast %add3A_501 : i32 to vector<16xi32>
    %add3A_503 = arith.addi %broadcast_in_dim3A_500, %add3A_502 : vector<16xi32>
    %gt3A_504 = arith.cmpf ogt, %get3A_498, %select_n3A_493 : vector<16xf32>
    %select_n3A_505 = arith.select %gt3A_504, %get3A_498, %select_n3A_493 : vector<16xi1>, vector<16xf32>
    %select_n3A_506 = arith.select %gt3A_504, %add3A_503, %select_n3A_494 : vector<16xi1>, vector<16xi32>
    %mul3A_507 = arith.constant 16 : i32
    %mul3A_508 = vector.broadcast %mul3A_507 : i32 to vector<16xi32>
    %mul3A_509 = arith.muli %select_n3A_506, %mul3A_508 : vector<16xi32>
    %add3A_510 = arith.addi %mul3A_509, %iota3A : vector<16xi32>
    %broadcast_in_dim3A_511 = arith.constant true
    %broadcast_in_dim3A_512 = vector.broadcast %broadcast_in_dim3A_511 : i1 to vector<16xi1>
    %masked_cummax3A_513 = tpu.scan <max>, %select_n3A_505 masked %broadcast_in_dim3A_512 : vector<16xf32>, vector<16xi1> -> vector<16xf32>
    %rev3A_514 = arith.constant 15 : i32
    %rev3A_515 = vector.broadcast %rev3A_514 : i32 to vector<16xi32>
    %rev3A_516 = tpu.iota {dimensions = array<i32: 0>} : vector<16xi32>
    %rev3A_517 = arith.subi %rev3A_515, %rev3A_516 : vector<16xi32>
    %rev3A_518 = tpu.dynamic_gather %masked_cummax3A_513[%rev3A_517] in [0] : vector<16xf32>, vector<16xi32> -> vector<16xf32>
    %broadcast_in_dim3A_519 = arith.constant true
    %broadcast_in_dim3A_520 = vector.broadcast %broadcast_in_dim3A_519 : i1 to vector<16xi1>
    %masked_cummax3A_521 = tpu.scan <max>, %rev3A_518 masked %broadcast_in_dim3A_520 : vector<16xf32>, vector<16xi1> -> vector<16xf32>
    %eq3A_522 = arith.cmpf oeq, %select_n3A_505, %masked_cummax3A_521 : vector<16xf32>
    %jit3A_523 = arith.constant 2147483647 : i32
    %broadcast_in_dim3A_524 = vector.broadcast %jit3A_523 : i32 to vector<16xi32>
    %select_n3A_525 = arith.select %eq3A_522, %add3A_510, %broadcast_in_dim3A_524 : vector<16xi1>, vector<16xi32>
    %neg3A_526 = arith.constant 0 : i32
    %neg3A_527 = vector.broadcast %neg3A_526 : i32 to vector<16xi32>
    %neg3A_528 = arith.subi %neg3A_527, %select_n3A_525 : vector<16xi32>
    %broadcast_in_dim3A_529 = arith.constant true
    %broadcast_in_dim3A_530 = vector.broadcast %broadcast_in_dim3A_529 : i1 to vector<16xi1>
    %masked_cummax3A_531 = arith.constant -2147483648 : i32
    %masked_cummax3A_532 = vector.broadcast %masked_cummax3A_531 : i32 to vector<16xi32>
    %masked_cummax3A_533 = arith.xori %neg3A_528, %masked_cummax3A_532 : vector<16xi32>
    %masked_cummax3A_534 = tpu.scan <max>, %masked_cummax3A_533 masked %broadcast_in_dim3A_530 : vector<16xi32>, vector<16xi1> -> vector<16xi32>
    %masked_cummax3A_535 = arith.xori %masked_cummax3A_534, %masked_cummax3A_532 : vector<16xi32>
    %rev3A_536 = arith.constant 15 : i32
    %rev3A_537 = vector.broadcast %rev3A_536 : i32 to vector<16xi32>
    %rev3A_538 = tpu.iota {dimensions = array<i32: 0>} : vector<16xi32>
    %rev3A_539 = arith.subi %rev3A_537, %rev3A_538 : vector<16xi32>
    %rev3A_540 = tpu.dynamic_gather %masked_cummax3A_535[%rev3A_539] in [0] : vector<16xi32>, vector<16xi32> -> vector<16xi32>
    %broadcast_in_dim3A_541 = arith.constant true
    %broadcast_in_dim3A_542 = vector.broadcast %broadcast_in_dim3A_541 : i1 to vector<16xi1>
    %masked_cummax3A_543 = arith.constant -2147483648 : i32
    %masked_cummax3A_544 = vector.broadcast %masked_cummax3A_543 : i32 to vector<16xi32>
    %masked_cummax3A_545 = arith.xori %rev3A_540, %masked_cummax3A_544 : vector<16xi32>
    %masked_cummax3A_546 = tpu.scan <max>, %masked_cummax3A_545 masked %broadcast_in_dim3A_542 : vector<16xi32>, vector<16xi1> -> vector<16xi32>
    %masked_cummax3A_547 = arith.xori %masked_cummax3A_546, %masked_cummax3A_544 : vector<16xi32>
    %neg3A_548 = arith.constant 0 : i32
    %neg3A_549 = vector.broadcast %neg3A_548 : i32 to vector<16xi32>
    %neg3A_550 = arith.subi %neg3A_549, %masked_cummax3A_547 : vector<16xi32>
    %eq3A_551 = arith.constant 5 : i32
    %eq3A_552 = vector.broadcast %eq3A_551 : i32 to vector<16xi32>
    %eq3A_553 = arith.cmpi eq, %iota3A, %eq3A_552 : vector<16xi32>
    %select_n3A_554 = arith.select %eq3A_553, %masked_cummax3A_521, %select_n3A_478 : vector<16xi1>, vector<16xf32>
    %eq3A_555 = arith.constant 5 : i32
    %eq3A_556 = vector.broadcast %eq3A_555 : i32 to vector<16xi32>
    %eq3A_557 = arith.cmpi eq, %iota3A, %eq3A_556 : vector<16xi32>
    %select_n3A_558 = arith.select %eq3A_557, %neg3A_550, %select_n3A_482 : vector<16xi1>, vector<16xi32>
    %get3A_559 = arith.constant 6 : i32
    %get3A_560 = arith.index_cast %get3A_559 : i32 to index
    %get3A_561 = arith.constant 0 : index
    %get3A_562 = tpu.vector_load %arg9[%get3A_560, %get3A_561] {strides = array<i32>} : memref<8x32xf32, #tpu.memory_space<vmem>>, vector<16xf32>,
    %broadcast_in_dim3A_563 = arith.constant 0 : i32
    %broadcast_in_dim3A_564 = vector.broadcast %broadcast_in_dim3A_563 : i32 to vector<16xi32>
    %add3A_565 = arith.constant 6248 : i32
    %add3A_566 = vector.broadcast %add3A_565 : i32 to vector<16xi32>
    %add3A_567 = arith.addi %broadcast_in_dim3A_564, %add3A_566 : vector<16xi32>
    %gt3A_568 = arith.cmpf ogt, %get3A_562, %scan3A_99#12 : vector<16xf32>
    %select_n3A_569 = arith.select %gt3A_568, %get3A_562, %scan3A_99#12 : vector<16xi1>, vector<16xf32>
    %select_n3A_570 = arith.select %gt3A_568, %add3A_567, %scan3A_99#13 : vector<16xi1>, vector<16xi32>
    %get3A_571 = arith.constant 6 : i32
    %get3A_572 = arith.index_cast %get3A_571 : i32 to index
    %get3A_573 = arith.constant 16 : index
    %get3A_574 = tpu.vector_load %arg9[%get3A_572, %get3A_573] {strides = array<i32>} : memref<8x32xf32, #tpu.memory_space<vmem>>, vector<16xf32>,
    %broadcast_in_dim3A_575 = arith.constant 0 : i32
    %broadcast_in_dim3A_576 = vector.broadcast %broadcast_in_dim3A_575 : i32 to vector<16xi32>
    %add3A_577 = arith.constant 6249 : i32
    %add3A_578 = vector.broadcast %add3A_577 : i32 to vector<16xi32>
    %add3A_579 = arith.addi %broadcast_in_dim3A_576, %add3A_578 : vector<16xi32>
    %gt3A_580 = arith.cmpf ogt, %get3A_574, %select_n3A_569 : vector<16xf32>
    %select_n3A_581 = arith.select %gt3A_580, %get3A_574, %select_n3A_569 : vector<16xi1>, vector<16xf32>
    %select_n3A_582 = arith.select %gt3A_580, %add3A_579, %select_n3A_570 : vector<16xi1>, vector<16xi32>
    %mul3A_583 = arith.constant 16 : i32
    %mul3A_584 = vector.broadcast %mul3A_583 : i32 to vector<16xi32>
    %mul3A_585 = arith.muli %select_n3A_582, %mul3A_584 : vector<16xi32>
    %add3A_586 = arith.addi %mul3A_585, %iota3A : vector<16xi32>
    %broadcast_in_dim3A_587 = arith.constant true
    %broadcast_in_dim3A_588 = vector.broadcast %broadcast_in_dim3A_587 : i1 to vector<16xi1>
    %masked_cummax3A_589 = tpu.scan <max>, %select_n3A_581 masked %broadcast_in_dim3A_588 : vector<16xf32>, vector<16xi1> -> vector<16xf32>
    %rev3A_590 = arith.constant 15 : i32
    %rev3A_591 = vector.broadcast %rev3A_590 : i32 to vector<16xi32>
    %rev3A_592 = tpu.iota {dimensions = array<i32: 0>} : vector<16xi32>
    %rev3A_593 = arith.subi %rev3A_591, %rev3A_592 : vector<16xi32>
    %rev3A_594 = tpu.dynamic_gather %masked_cummax3A_589[%rev3A_593] in [0] : vector<16xf32>, vector<16xi32> -> vector<16xf32>
    %broadcast_in_dim3A_595 = arith.constant true
    %broadcast_in_dim3A_596 = vector.broadcast %broadcast_in_dim3A_595 : i1 to vector<16xi1>
    %masked_cummax3A_597 = tpu.scan <max>, %rev3A_594 masked %broadcast_in_dim3A_596 : vector<16xf32>, vector<16xi1> -> vector<16xf32>
    %eq3A_598 = arith.cmpf oeq, %select_n3A_581, %masked_cummax3A_597 : vector<16xf32>
    %jit3A_599 = arith.constant 2147483647 : i32
    %broadcast_in_dim3A_600 = vector.broadcast %jit3A_599 : i32 to vector<16xi32>
    %select_n3A_601 = arith.select %eq3A_598, %add3A_586, %broadcast_in_dim3A_600 : vector<16xi1>, vector<16xi32>
    %neg3A_602 = arith.constant 0 : i32
    %neg3A_603 = vector.broadcast %neg3A_602 : i32 to vector<16xi32>
    %neg3A_604 = arith.subi %neg3A_603, %select_n3A_601 : vector<16xi32>
    %broadcast_in_dim3A_605 = arith.constant true
    %broadcast_in_dim3A_606 = vector.broadcast %broadcast_in_dim3A_605 : i1 to vector<16xi1>
    %masked_cummax3A_607 = arith.constant -2147483648 : i32
    %masked_cummax3A_608 = vector.broadcast %masked_cummax3A_607 : i32 to vector<16xi32>
    %masked_cummax3A_609 = arith.xori %neg3A_604, %masked_cummax3A_608 : vector<16xi32>
    %masked_cummax3A_610 = tpu.scan <max>, %masked_cummax3A_609 masked %broadcast_in_dim3A_606 : vector<16xi32>, vector<16xi1> -> vector<16xi32>
    %masked_cummax3A_611 = arith.xori %masked_cummax3A_610, %masked_cummax3A_608 : vector<16xi32>
    %rev3A_612 = arith.constant 15 : i32
    %rev3A_613 = vector.broadcast %rev3A_612 : i32 to vector<16xi32>
    %rev3A_614 = tpu.iota {dimensions = array<i32: 0>} : vector<16xi32>
    %rev3A_615 = arith.subi %rev3A_613, %rev3A_614 : vector<16xi32>
    %rev3A_616 = tpu.dynamic_gather %masked_cummax3A_611[%rev3A_615] in [0] : vector<16xi32>, vector<16xi32> -> vector<16xi32>
    %broadcast_in_dim3A_617 = arith.constant true
    %broadcast_in_dim3A_618 = vector.broadcast %broadcast_in_dim3A_617 : i1 to vector<16xi1>
    %masked_cummax3A_619 = arith.constant -2147483648 : i32
    %masked_cummax3A_620 = vector.broadcast %masked_cummax3A_619 : i32 to vector<16xi32>
    %masked_cummax3A_621 = arith.xori %rev3A_616, %masked_cummax3A_620 : vector<16xi32>
    %masked_cummax3A_622 = tpu.scan <max>, %masked_cummax3A_621 masked %broadcast_in_dim3A_618 : vector<16xi32>, vector<16xi1> -> vector<16xi32>
    %masked_cummax3A_623 = arith.xori %masked_cummax3A_622, %masked_cummax3A_620 : vector<16xi32>
    %neg3A_624 = arith.constant 0 : i32
    %neg3A_625 = vector.broadcast %neg3A_624 : i32 to vector<16xi32>
    %neg3A_626 = arith.subi %neg3A_625, %masked_cummax3A_623 : vector<16xi32>
    %eq3A_627 = arith.constant 6 : i32
    %eq3A_628 = vector.broadcast %eq3A_627 : i32 to vector<16xi32>
    %eq3A_629 = arith.cmpi eq, %iota3A, %eq3A_628 : vector<16xi32>
    %select_n3A_630 = arith.select %eq3A_629, %masked_cummax3A_597, %select_n3A_554 : vector<16xi1>, vector<16xf32>
    %eq3A_631 = arith.constant 6 : i32
    %eq3A_632 = vector.broadcast %eq3A_631 : i32 to vector<16xi32>
    %eq3A_633 = arith.cmpi eq, %iota3A, %eq3A_632 : vector<16xi32>
    %select_n3A_634 = arith.select %eq3A_633, %neg3A_626, %select_n3A_558 : vector<16xi1>, vector<16xi32>
    %get3A_635 = arith.constant 7 : i32
    %get3A_636 = arith.index_cast %get3A_635 : i32 to index
    %get3A_637 = arith.constant 0 : index
    %get3A_638 = tpu.vector_load %arg9[%get3A_636, %get3A_637] {strides = array<i32>} : memref<8x32xf32, #tpu.memory_space<vmem>>, vector<16xf32>,
    %broadcast_in_dim3A_639 = arith.constant 0 : i32
    %broadcast_in_dim3A_640 = vector.broadcast %broadcast_in_dim3A_639 : i32 to vector<16xi32>
    %add3A_641 = arith.constant 6248 : i32
    %add3A_642 = vector.broadcast %add3A_641 : i32 to vector<16xi32>
    %add3A_643 = arith.addi %broadcast_in_dim3A_640, %add3A_642 : vector<16xi32>
    %gt3A_644 = arith.cmpf ogt, %get3A_638, %scan3A_99#14 : vector<16xf32>
    %select_n3A_645 = arith.select %gt3A_644, %get3A_638, %scan3A_99#14 : vector<16xi1>, vector<16xf32>
    %select_n3A_646 = arith.select %gt3A_644, %add3A_643, %scan3A_99#15 : vector<16xi1>, vector<16xi32>
    %get3A_647 = arith.constant 7 : i32
    %get3A_648 = arith.index_cast %get3A_647 : i32 to index
    %get3A_649 = arith.constant 16 : index
    %get3A_650 = tpu.vector_load %arg9[%get3A_648, %get3A_649] {strides = array<i32>} : memref<8x32xf32, #tpu.memory_space<vmem>>, vector<16xf32>,
    %broadcast_in_dim3A_651 = arith.constant 0 : i32
    %broadcast_in_dim3A_652 = vector.broadcast %broadcast_in_dim3A_651 : i32 to vector<16xi32>
    %add3A_653 = arith.constant 6249 : i32
    %add3A_654 = vector.broadcast %add3A_653 : i32 to vector<16xi32>
    %add3A_655 = arith.addi %broadcast_in_dim3A_652, %add3A_654 : vector<16xi32>
    %gt3A_656 = arith.cmpf ogt, %get3A_650, %select_n3A_645 : vector<16xf32>
    %select_n3A_657 = arith.select %gt3A_656, %get3A_650, %select_n3A_645 : vector<16xi1>, vector<16xf32>
    %select_n3A_658 = arith.select %gt3A_656, %add3A_655, %select_n3A_646 : vector<16xi1>, vector<16xi32>
    %mul3A_659 = arith.constant 16 : i32
    %mul3A_660 = vector.broadcast %mul3A_659 : i32 to vector<16xi32>
    %mul3A_661 = arith.muli %select_n3A_658, %mul3A_660 : vector<16xi32>
    %add3A_662 = arith.addi %mul3A_661, %iota3A : vector<16xi32>
    %broadcast_in_dim3A_663 = arith.constant true
    %broadcast_in_dim3A_664 = vector.broadcast %broadcast_in_dim3A_663 : i1 to vector<16xi1>
    %masked_cummax3A_665 = tpu.scan <max>, %select_n3A_657 masked %broadcast_in_dim3A_664 : vector<16xf32>, vector<16xi1> -> vector<16xf32>
    %rev3A_666 = arith.constant 15 : i32
    %rev3A_667 = vector.broadcast %rev3A_666 : i32 to vector<16xi32>
    %rev3A_668 = tpu.iota {dimensions = array<i32: 0>} : vector<16xi32>
    %rev3A_669 = arith.subi %rev3A_667, %rev3A_668 : vector<16xi32>
    %rev3A_670 = tpu.dynamic_gather %masked_cummax3A_665[%rev3A_669] in [0] : vector<16xf32>, vector<16xi32> -> vector<16xf32>
    %broadcast_in_dim3A_671 = arith.constant true
    %broadcast_in_dim3A_672 = vector.broadcast %broadcast_in_dim3A_671 : i1 to vector<16xi1>
    %masked_cummax3A_673 = tpu.scan <max>, %rev3A_670 masked %broadcast_in_dim3A_672 : vector<16xf32>, vector<16xi1> -> vector<16xf32>
    %eq3A_674 = arith.cmpf oeq, %select_n3A_657, %masked_cummax3A_673 : vector<16xf32>
    %jit3A_675 = arith.constant 2147483647 : i32
    %broadcast_in_dim3A_676 = vector.broadcast %jit3A_675 : i32 to vector<16xi32>
    %select_n3A_677 = arith.select %eq3A_674, %add3A_662, %broadcast_in_dim3A_676 : vector<16xi1>, vector<16xi32>
    %neg3A_678 = arith.constant 0 : i32
    %neg3A_679 = vector.broadcast %neg3A_678 : i32 to vector<16xi32>
    %neg3A_680 = arith.subi %neg3A_679, %select_n3A_677 : vector<16xi32>
    %broadcast_in_dim3A_681 = arith.constant true
    %broadcast_in_dim3A_682 = vector.broadcast %broadcast_in_dim3A_681 : i1 to vector<16xi1>
    %masked_cummax3A_683 = arith.constant -2147483648 : i32
    %masked_cummax3A_684 = vector.broadcast %masked_cummax3A_683 : i32 to vector<16xi32>
    %masked_cummax3A_685 = arith.xori %neg3A_680, %masked_cummax3A_684 : vector<16xi32>
    %masked_cummax3A_686 = tpu.scan <max>, %masked_cummax3A_685 masked %broadcast_in_dim3A_682 : vector<16xi32>, vector<16xi1> -> vector<16xi32>
    %masked_cummax3A_687 = arith.xori %masked_cummax3A_686, %masked_cummax3A_684 : vector<16xi32>
    %rev3A_688 = arith.constant 15 : i32
    %rev3A_689 = vector.broadcast %rev3A_688 : i32 to vector<16xi32>
    %rev3A_690 = tpu.iota {dimensions = array<i32: 0>} : vector<16xi32>
    %rev3A_691 = arith.subi %rev3A_689, %rev3A_690 : vector<16xi32>
    %rev3A_692 = tpu.dynamic_gather %masked_cummax3A_687[%rev3A_691] in [0] : vector<16xi32>, vector<16xi32> -> vector<16xi32>
    %broadcast_in_dim3A_693 = arith.constant true
    %broadcast_in_dim3A_694 = vector.broadcast %broadcast_in_dim3A_693 : i1 to vector<16xi1>
    %masked_cummax3A_695 = arith.constant -2147483648 : i32
    %masked_cummax3A_696 = vector.broadcast %masked_cummax3A_695 : i32 to vector<16xi32>
    %masked_cummax3A_697 = arith.xori %rev3A_692, %masked_cummax3A_696 : vector<16xi32>
    %masked_cummax3A_698 = tpu.scan <max>, %masked_cummax3A_697 masked %broadcast_in_dim3A_694 : vector<16xi32>, vector<16xi1> -> vector<16xi32>
    %masked_cummax3A_699 = arith.xori %masked_cummax3A_698, %masked_cummax3A_696 : vector<16xi32>
    %neg3A_700 = arith.constant 0 : i32
    %neg3A_701 = vector.broadcast %neg3A_700 : i32 to vector<16xi32>
    %neg3A_702 = arith.subi %neg3A_701, %masked_cummax3A_699 : vector<16xi32>
    %eq3A_703 = arith.constant 7 : i32
    %eq3A_704 = vector.broadcast %eq3A_703 : i32 to vector<16xi32>
    %eq3A_705 = arith.cmpi eq, %iota3A, %eq3A_704 : vector<16xi32>
    %select_n3A_706 = arith.select %eq3A_705, %masked_cummax3A_673, %select_n3A_630 : vector<16xi1>, vector<16xf32>
    %eq3A_707 = arith.constant 7 : i32
    %eq3A_708 = vector.broadcast %eq3A_707 : i32 to vector<16xi32>
    %eq3A_709 = arith.cmpi eq, %iota3A, %eq3A_708 : vector<16xi32>
    %select_n3A_710 = arith.select %eq3A_709, %neg3A_702, %select_n3A_634 : vector<16xi1>, vector<16xi32>
    %swap3A = arith.constant 0 : index
    %swap3A_711 = tpu.vector_load %arg10[%swap3A] {strides = array<i32>} : memref<16xf32, #tpu.memory_space<vmem>>, vector<16xf32>,
    tpu.vector_store %arg10[%swap3A], %select_n3A_706 {strides = array<i32>} : memref<16xf32, #tpu.memory_space<vmem>>, vector<16xf32>,
    %swap3A_712 = arith.constant 0 : index
    %swap3A_713 = tpu.vector_load %arg11[%swap3A_712] {strides = array<i32>} : memref<16xi32, #tpu.memory_space<vmem>>, vector<16xi32>,
    tpu.vector_store %arg11[%swap3A_712], %select_n3A_710 {strides = array<i32>} : memref<16xi32, #tpu.memory_space<vmem>>, vector<16xi32>,
    %mul3A_714 = arith.constant 16 : i32
    %mul3A_715 = arith.muli %add3A, %mul3A_714 : i32
    "tpu.region"() ({
      %run_scoped3A = tpu.sem_alloc : memref<!tpu.dma_semaphore, #tpu.memory_space<semaphore_mem>>
      %dma_start3A_721 = tpu.memref_slice %arg5[%mul3A_715] : memref<512xf32, #tpu.memory_space<hbm>> -> memref<16xf32, #tpu.memory_space<hbm>>
      %dma_start3A_722 = tpu.memref_slice %arg5[%mul3A_715] : memref<512xf32, #tpu.memory_space<hbm>> -> memref<16xf32, #tpu.memory_space<hbm>>
      tpu.enqueue_dma source(%arg10 : memref<16xf32, #tpu.memory_space<vmem>>) target(%dma_start3A_722 : memref<16xf32, #tpu.memory_space<hbm>>) target_semaphore(%run_scoped3A : memref<!tpu.dma_semaphore, #tpu.memory_space<semaphore_mem>>)
      %dma_wait3A_723 = tpu.memref_slice %arg5[%mul3A_715] : memref<512xf32, #tpu.memory_space<hbm>> -> memref<16xf32, #tpu.memory_space<hbm>>
      %dma_wait3A_724 = tpu.memref_slice %arg5[%mul3A_715] : memref<512xf32, #tpu.memory_space<hbm>> -> memref<16xf32, #tpu.memory_space<hbm>>
      tpu.wait_dma2 semaphore(%run_scoped3A : memref<!tpu.dma_semaphore, #tpu.memory_space<semaphore_mem>>) src(%arg10 : memref<16xf32, #tpu.memory_space<vmem>>) dst(%dma_wait3A_724 : memref<16xf32, #tpu.memory_space<hbm>>)
      tpu.yield
    }) : () -> ()
    %mul3A_716 = arith.constant 16 : i32
    %mul3A_717 = arith.muli %add3A, %mul3A_716 : i32
    "tpu.region"() ({
      %run_scoped3A = tpu.sem_alloc : memref<!tpu.dma_semaphore, #tpu.memory_space<semaphore_mem>>
      %dma_start3A_721 = tpu.memref_slice %arg6[%mul3A_717] : memref<512xi32, #tpu.memory_space<hbm>> -> memref<16xi32, #tpu.memory_space<hbm>>
      %dma_start3A_722 = tpu.memref_slice %arg6[%mul3A_717] : memref<512xi32, #tpu.memory_space<hbm>> -> memref<16xi32, #tpu.memory_space<hbm>>
      tpu.enqueue_dma source(%arg11 : memref<16xi32, #tpu.memory_space<vmem>>) target(%dma_start3A_722 : memref<16xi32, #tpu.memory_space<hbm>>) target_semaphore(%run_scoped3A : memref<!tpu.dma_semaphore, #tpu.memory_space<semaphore_mem>>)
      %dma_wait3A_723 = tpu.memref_slice %arg6[%mul3A_717] : memref<512xi32, #tpu.memory_space<hbm>> -> memref<16xi32, #tpu.memory_space<hbm>>
      %dma_wait3A_724 = tpu.memref_slice %arg6[%mul3A_717] : memref<512xi32, #tpu.memory_space<hbm>> -> memref<16xi32, #tpu.memory_space<hbm>>
      tpu.wait_dma2 semaphore(%run_scoped3A : memref<!tpu.dma_semaphore, #tpu.memory_space<semaphore_mem>>) src(%arg11 : memref<16xi32, #tpu.memory_space<vmem>>) dst(%dma_wait3A_724 : memref<16xi32, #tpu.memory_space<hbm>>)
      tpu.yield
    }) : () -> ()
    %barrier3A = arith.constant 0 : index
    tpu.barrier barrier_id(%barrier3A)
    %eq3A_718 = arith.constant 0 : i32
    %eq3A_719 = arith.cmpi eq, %select_n3A_30, %eq3A_718 : i32
    %convert_element_type3A = arith.extui %eq3A_719 : i1 to i32
    %cond3A = arith.constant 0 : i32
    %cond3A_720 = arith.cmpi ne, %convert_element_type3A, %cond3A : i32
    scf.if %cond3A_720 {
      %mul3A_721 = arith.constant 16 : i32
      %mul3A_722 = arith.muli %add3A, %mul3A_721 : i32
      "tpu.region"() ({
        %run_scoped3A = tpu.sem_alloc : memref<!tpu.dma_semaphore, #tpu.memory_space<semaphore_mem>>
        %dma_start3A_763 = tpu.memref_slice %arg5[%mul3A_722] : memref<512xf32, #tpu.memory_space<hbm>> -> memref<64xf32, #tpu.memory_space<hbm>>
        %dma_start3A_764 = tpu.memref_slice %arg5[%mul3A_722] : memref<512xf32, #tpu.memory_space<hbm>> -> memref<64xf32, #tpu.memory_space<hbm>>
        tpu.enqueue_dma source(%dma_start3A_764 : memref<64xf32, #tpu.memory_space<hbm>>) target(%arg12 : memref<64xf32, #tpu.memory_space<vmem>>) target_semaphore(%run_scoped3A : memref<!tpu.dma_semaphore, #tpu.memory_space<semaphore_mem>>)
        %dma_wait3A_765 = tpu.memref_slice %arg5[%mul3A_722] : memref<512xf32, #tpu.memory_space<hbm>> -> memref<64xf32, #tpu.memory_space<hbm>>
        %dma_wait3A_766 = tpu.memref_slice %arg5[%mul3A_722] : memref<512xf32, #tpu.memory_space<hbm>> -> memref<64xf32, #tpu.memory_space<hbm>>
        tpu.wait_dma2 semaphore(%run_scoped3A : memref<!tpu.dma_semaphore, #tpu.memory_space<semaphore_mem>>) src(%dma_wait3A_766 : memref<64xf32, #tpu.memory_space<hbm>>) dst(%arg12 : memref<64xf32, #tpu.memory_space<vmem>>)
        tpu.yield
      }) : () -> ()
      %mul3A_723 = arith.constant 16 : i32
      %mul3A_724 = arith.muli %add3A, %mul3A_723 : i32
      "tpu.region"() ({
        %run_scoped3A = tpu.sem_alloc : memref<!tpu.dma_semaphore, #tpu.memory_space<semaphore_mem>>
        %dma_start3A_763 = tpu.memref_slice %arg6[%mul3A_724] : memref<512xi32, #tpu.memory_space<hbm>> -> memref<64xi32, #tpu.memory_space<hbm>>
        %dma_start3A_764 = tpu.memref_slice %arg6[%mul3A_724] : memref<512xi32, #tpu.memory_space<hbm>> -> memref<64xi32, #tpu.memory_space<hbm>>
        tpu.enqueue_dma source(%dma_start3A_764 : memref<64xi32, #tpu.memory_space<hbm>>) target(%arg13 : memref<64xi32, #tpu.memory_space<vmem>>) target_semaphore(%run_scoped3A : memref<!tpu.dma_semaphore, #tpu.memory_space<semaphore_mem>>)
        %dma_wait3A_765 = tpu.memref_slice %arg6[%mul3A_724] : memref<512xi32, #tpu.memory_space<hbm>> -> memref<64xi32, #tpu.memory_space<hbm>>
        %dma_wait3A_766 = tpu.memref_slice %arg6[%mul3A_724] : memref<512xi32, #tpu.memory_space<hbm>> -> memref<64xi32, #tpu.memory_space<hbm>>
        tpu.wait_dma2 semaphore(%run_scoped3A : memref<!tpu.dma_semaphore, #tpu.memory_space<semaphore_mem>>) src(%dma_wait3A_766 : memref<64xi32, #tpu.memory_space<hbm>>) dst(%arg13 : memref<64xi32, #tpu.memory_space<vmem>>)
        tpu.yield
      }) : () -> ()
      %get3A_725 = arith.constant 0 : index
      %get3A_726 = tpu.vector_load %arg12[%get3A_725] {strides = array<i32>} : memref<64xf32, #tpu.memory_space<vmem>>, vector<16xf32>,
      %get3A_727 = arith.constant 0 : index
      %get3A_728 = tpu.vector_load %arg13[%get3A_727] {strides = array<i32>} : memref<64xi32, #tpu.memory_space<vmem>>, vector<16xi32>,
      %get3A_729 = arith.constant 16 : index
      %get3A_730 = tpu.vector_load %arg12[%get3A_729] {strides = array<i32>} : memref<64xf32, #tpu.memory_space<vmem>>, vector<16xf32>,
      %get3A_731 = arith.constant 16 : index
      %get3A_732 = tpu.vector_load %arg13[%get3A_731] {strides = array<i32>} : memref<64xi32, #tpu.memory_space<vmem>>, vector<16xi32>,
      %gt3A_733 = arith.cmpf ogt, %get3A_726, %get3A_730 : vector<16xf32>
      %eq3A_734 = arith.cmpf oeq, %get3A_726, %get3A_730 : vector<16xf32>
      %lt3A_735 = arith.cmpi slt, %get3A_728, %get3A_732 : vector<16xi32>
      %and3A_736 = arith.andi %eq3A_734, %lt3A_735 : vector<16xi1>
      %or3A = arith.ori %gt3A_733, %and3A_736 : vector<16xi1>
      %select_n3A_737 = arith.select %or3A, %get3A_726, %get3A_730 : vector<16xi1>, vector<16xf32>
      %select_n3A_738 = arith.select %or3A, %get3A_728, %get3A_732 : vector<16xi1>, vector<16xi32>
      %get3A_739 = arith.constant 32 : index
      %get3A_740 = tpu.vector_load %arg12[%get3A_739] {strides = array<i32>} : memref<64xf32, #tpu.memory_space<vmem>>, vector<16xf32>,
      %get3A_741 = arith.constant 32 : index
      %get3A_742 = tpu.vector_load %arg13[%get3A_741] {strides = array<i32>} : memref<64xi32, #tpu.memory_space<vmem>>, vector<16xi32>,
      %gt3A_743 = arith.cmpf ogt, %select_n3A_737, %get3A_740 : vector<16xf32>
      %eq3A_744 = arith.cmpf oeq, %select_n3A_737, %get3A_740 : vector<16xf32>
      %lt3A_745 = arith.cmpi slt, %select_n3A_738, %get3A_742 : vector<16xi32>
      %and3A_746 = arith.andi %eq3A_744, %lt3A_745 : vector<16xi1>
      %or3A_747 = arith.ori %gt3A_743, %and3A_746 : vector<16xi1>
      %select_n3A_748 = arith.select %or3A_747, %select_n3A_737, %get3A_740 : vector<16xi1>, vector<16xf32>
      %select_n3A_749 = arith.select %or3A_747, %select_n3A_738, %get3A_742 : vector<16xi1>, vector<16xi32>
      %get3A_750 = arith.constant 48 : index
      %get3A_751 = tpu.vector_load %arg12[%get3A_750] {strides = array<i32>} : memref<64xf32, #tpu.memory_space<vmem>>, vector<16xf32>,
      %get3A_752 = arith.constant 48 : index
      %get3A_753 = tpu.vector_load %arg13[%get3A_752] {strides = array<i32>} : memref<64xi32, #tpu.memory_space<vmem>>, vector<16xi32>,
      %gt3A_754 = arith.cmpf ogt, %select_n3A_748, %get3A_751 : vector<16xf32>
      %eq3A_755 = arith.cmpf oeq, %select_n3A_748, %get3A_751 : vector<16xf32>
      %lt3A_756 = arith.cmpi slt, %select_n3A_749, %get3A_753 : vector<16xi32>
      %and3A_757 = arith.andi %eq3A_755, %lt3A_756 : vector<16xi1>
      %or3A_758 = arith.ori %gt3A_754, %and3A_757 : vector<16xi1>
      %select_n3A_759 = arith.select %or3A_758, %select_n3A_748, %get3A_751 : vector<16xi1>, vector<16xf32>
      %select_n3A_760 = arith.select %or3A_758, %select_n3A_749, %get3A_753 : vector<16xi1>, vector<16xi32>
      %swap3A_761 = arith.constant 0 : index
      %swap3A_762 = tpu.vector_load %arg11[%swap3A_761] {strides = array<i32>} : memref<16xi32, #tpu.memory_space<vmem>>, vector<16xi32>,
      tpu.vector_store %arg11[%swap3A_761], %select_n3A_760 {strides = array<i32>} : memref<16xi32, #tpu.memory_space<vmem>>, vector<16xi32>,
      "tpu.region"() ({
        %run_scoped3A = tpu.sem_alloc : memref<!tpu.dma_semaphore, #tpu.memory_space<semaphore_mem>>
        %dma_start3A_763 = arith.constant 0 : i32
        %dma_start3A_764 = tpu.memref_slice %arg4[%select_n3A, %dma_start3A_763] : memref<8x16xi32, #tpu.memory_space<hbm>> -> memref<1x16xi32, #tpu.memory_space<hbm>>
        %dma_start3A_765 = tpu.memref_squeeze %dma_start3A_764 : memref<1x16xi32, #tpu.memory_space<hbm>> -> memref<16xi32, #tpu.memory_space<hbm>>
        %dma_start3A_766 = arith.constant 0 : i32
        %dma_start3A_767 = tpu.memref_slice %arg4[%select_n3A, %dma_start3A_766] : memref<8x16xi32, #tpu.memory_space<hbm>> -> memref<1x16xi32, #tpu.memory_space<hbm>>
        %dma_start3A_768 = tpu.memref_squeeze %dma_start3A_767 : memref<1x16xi32, #tpu.memory_space<hbm>> -> memref<16xi32, #tpu.memory_space<hbm>>
        tpu.enqueue_dma source(%arg11 : memref<16xi32, #tpu.memory_space<vmem>>) target(%dma_start3A_768 : memref<16xi32, #tpu.memory_space<hbm>>) target_semaphore(%run_scoped3A : memref<!tpu.dma_semaphore, #tpu.memory_space<semaphore_mem>>)
        %dma_wait3A_769 = arith.constant 0 : i32
        %dma_wait3A_770 = tpu.memref_slice %arg4[%select_n3A, %dma_wait3A_769] : memref<8x16xi32, #tpu.memory_space<hbm>> -> memref<1x16xi32, #tpu.memory_space<hbm>>
        %dma_wait3A_771 = tpu.memref_squeeze %dma_wait3A_770 : memref<1x16xi32, #tpu.memory_space<hbm>> -> memref<16xi32, #tpu.memory_space<hbm>>
        %dma_wait3A_772 = arith.constant 0 : i32
        %dma_wait3A_773 = tpu.memref_slice %arg4[%select_n3A, %dma_wait3A_772] : memref<8x16xi32, #tpu.memory_space<hbm>> -> memref<1x16xi32, #tpu.memory_space<hbm>>
        %dma_wait3A_774 = tpu.memref_squeeze %dma_wait3A_773 : memref<1x16xi32, #tpu.memory_space<hbm>> -> memref<16xi32, #tpu.memory_space<hbm>>
        tpu.wait_dma2 semaphore(%run_scoped3A : memref<!tpu.dma_semaphore, #tpu.memory_space<semaphore_mem>>) src(%arg11 : memref<16xi32, #tpu.memory_space<vmem>>) dst(%dma_wait3A_774 : memref<16xi32, #tpu.memory_space<hbm>>)
        tpu.yield
      }) : () -> ()
    } else {
    }
    return
  }
}

</mosaic_0001>

<sc_bundles>
// kernel: greedy_head_sc.3.cloned.1.call-start
scs
__scs_entry_jumppad:
0x0: {  	(pc) =	sbr.rel $0x88, $3  }
0x1: {  	(tag) =	ssettag $0x0;
	lr =	simm.s32 $0x1  }
0x2: {  	[smem:$0x3FA0] =	sst lr;
	_ =	strace $0xD0000000  }
0x3: {  	_ = 	snop  }
0x4: {  	_ = 	snop  }
0x5: {  	_ = 	snop  }
0x6: {  	_ = 	snop  }
0x7: {  	_ = 	snop  }
__scs_overlays_trampoline_lowered:
0x8: {  	[smem:$0x3FAF] =	sst s0  }
0x9: {  	[smem:$0x3FB0] =	sst s1  }
0xa: {  	[smem:$0x3FB1] =	sst s2  }
0xb: {  	[smem:$0x3FB2] =	sst s3  }
0xc: {  	[smem:$0x3FB3] =	sst s4  }
0xd: {  	[smem:$0x3FB4] =	sst s5  }
0xe: {  	[smem:$0x3FB5] =	sst s6  }
0xf: {  	[smem:$0x3FB6] =	sst s7  }
0x10: {  	[smem:$0x3FB7] =	sst s8  }
0x11: {  	[smem:$0x3FB8] =	sst s9;
	s0 =	simm.s32 @!p0 $0x0  }
0x12: {  	s1 =	sld [smem:$0x3F9E];
	s0 =	simm.s32 @p0 $0x1  }
0x13: {  	[smem:$0x3FB9] =	sst s0;
	s0 =	simm.s32 @!p1 $0x0  }
0x14: {  	s2 =	sld [smem:$0x3F9D];
	s0 =	simm.s32 @p1 $0x1  }
0x15: {  	[smem:$0x3FBA] =	sst s0;
	s0 =	simm.s32 @!p2 $0x0  }
0x16: {  	s3 =	sld [smem:$0x3FDB];
	s0 =	simm.s32 @p2 $0x1  }
0x17: {  	s4 =	simm.s32 $0x1BF5;
	[smem:$0x3FBC] =	sst s0  }
0x18: {  	s0 =	sld [smem:$0x3F9F];
	_ =	swait.ge [sflag:s4], $0x0  }
0x19: {  	s7 =	sld [smem:$0x3FA0]  }
0x1a: {  	s8 =	sadd.s32 $0xFFFFE003, lr  }
0x1b: {  	s9 =	sadd.s32 $0xFFFFFEF7, lr;
	s5 =	simm.s32 $0xFFFFFFFF;
	p2 =	slt.u32 s8, $0xFFFFF086  }
0x1c: {  	p1 =	slt.u32 s9, $0xF7A;
	s5 =	simm.s32 @!p2 $0x0  }
0x1d: {  	s5 =	simm.s32 @p1 $0x1;
	p0 =	seq.s32 s7, s2  }
0x1e: {  	s7 =	smul.u32 @!p0 $0xF7A, s2;
	p2 =	seq.s32 @!p0 s5, $0x0  }
0x1f: {  	s9 =	smul.u32 $0xF7A, s1;
	s8 =	simm.s32 @!p0 $0x1BF5;
	p2 =	por !p2, p0  }
0x20: {  	[sflag:s8] =	ssyncset.s32 @!p0 $0xFFFFF086;
	s6 =	sadd.s32 @!p0 s3, s7;
	s7 =	simm.s32 @!p0 $0x108  }
0x21: {  	s3 =	sadd.s32 s3, s9;
	s6 =	sadd.s32 @!p0 $0x88, s6;
	s7 =	simm.s32 @p2 $0x1082  }
0x22: {  	[simem:s7], [sflag:s8] =	dma.local @!p0 [hbm:s6], $0xF7A  }
0x23: {  	s9 =	sor.u32 $0xD0000000, s2;
	s6 =	simm.s32 $0x108;
	_ =	swait.ge @!p0 [sflag:s8], $0x0  }
0x24: {  	s3 =	sadd.s32 $0x88, s3;
	s6 =	simm.s32 @!p1 $0x1082;
	[sflag:s4] =	ssyncset.s32 $0xFFFFF086  }
0x25: {  	[simem:s6], [sflag:s4] =	dma.local [hbm:s3], $0xF7A  }
0x26: {  	[smem:$0x3FA0] =	sst s1;
	(tag) =	ssettag s2;
	_ =	strace s9  }
0x27: {  	s1 =	sld [smem:$0x3FB0]  }
0x28: {  	s2 =	sld [smem:$0x3FB1]  }
0x29: {  	s4 =	sld [smem:$0x3FB3]  }
0x2a: {  	p0 =	seq.s32 s5, $0x0;
	s5 =	sld [smem:$0x3FB4]  }
0x2b: {  	s6 =	sld [smem:$0x3FB5]  }
0x2c: {  	s7 =	sld [smem:$0x3FB6]  }
0x2d: {  	s3 =	simm.s32 $0x108;
	s8 =	sld [smem:$0x3FB7]  }
0x2e: {  	s3 =	simm.s32 @!p0 $0x1082;
	s9 =	sld [smem:$0x3FB8]  }
0x2f: {  	lr =	sadd.s32 s0, s3;
	s0 =	sld [smem:$0x3FAF]  }
0x30: {  	s3 =	sld [smem:$0x3FB2]  }
0x31: {  	[smem:$0x3FBB] =	sst s10  }
0x32: {  	s10 =	sld [smem:$0x3FB9];
	_ =	sdelay $0x3  }
0x33: {  	p0 =	seq.s32 s10, $0x1;
	s10 =	sld [smem:$0x3FBB];
	_ =	sdelay $0x3  }
0x34: {  	[smem:$0x3FBB] =	sst s10  }
0x35: {  	s10 =	sld [smem:$0x3FBA];
	_ =	sdelay $0x3  }
0x36: {  	p1 =	seq.s32 s10, $0x1;
	s10 =	sld [smem:$0x3FBB];
	_ =	sdelay $0x3  }
0x37: {  	[smem:$0x3FBB] =	sst s10  }
0x38: {  	s10 =	sld [smem:$0x3FBC]  }
0x39: {  	_ = 	snop;
	(pc) =	sbr.ind lr, $3  }
0x3a: {  	_ = 	snop  }
0x3b: {  	_ = 	snop  }
0x3c: {  	p2 =	seq.s32 s10, $0x1;
	s10 =	sld [smem:$0x3FBB]  }
0x3d: {  	_ =	shalt  }
0x3e: {  	_ =	shalt  }
0x3f: {  	_ =	shalt  }
0x40: {  	_ =	shalt  }
0x41: {  	_ =	shalt  }
0x42: {  	_ =	shalt  }
0x43: {  	_ =	shalt  }
0x44: {  	_ =	shalt  }
0x45: {  	_ =	shalt  }
0x46: {  	_ =	shalt  }
0x47: {  	_ =	shalt  }
0x48: {  	_ =	shalt  }
0x49: {  	_ =	shalt  }
0x4a: {  	_ =	shalt  }
0x4b: {  	_ =	shalt  }
0x4c: {  	_ =	shalt  }
0x4d: {  	_ =	shalt  }
0x4e: {  	_ =	shalt  }
0x4f: {  	_ =	shalt  }
0x50: {  	_ =	shalt  }
0x51: {  	_ =	shalt  }
0x52: {  	_ =	shalt  }
0x53: {  	_ =	shalt  }
0x54: {  	_ =	shalt  }
0x55: {  	_ =	shalt  }
0x56: {  	_ =	shalt  }
0x57: {  	_ =	shalt  }
0x58: {  	_ =	shalt  }
0x59: {  	_ =	shalt  }
0x5a: {  	_ =	shalt  }
0x5b: {  	_ =	shalt  }
0x5c: {  	_ =	shalt  }
0x5d: {  	_ =	shalt  }
0x5e: {  	_ =	shalt  }
0x5f: {  	_ =	shalt  }
0x60: {  	_ =	shalt  }
0x61: {  	_ =	shalt  }
0x62: {  	_ =	shalt  }
0x63: {  	_ =	shalt  }
0x64: {  	_ =	shalt  }
0x65: {  	_ =	shalt  }
0x66: {  	_ =	shalt  }
0x67: {  	_ =	shalt  }
0x68: {  	_ =	shalt  }
0x69: {  	_ =	shalt  }
0x6a: {  	_ =	shalt  }
0x6b: {  	_ =	shalt  }
0x6c: {  	_ =	shalt  }
0x6d: {  	_ =	shalt  }
0x6e: {  	_ =	shalt  }
0x6f: {  	_ =	shalt  }
0x70: {  	_ =	shalt  }
0x71: {  	_ =	shalt  }
0x72: {  	_ =	shalt  }
0x73: {  	_ =	shalt  }
0x74: {  	_ =	shalt  }
0x75: {  	_ =	shalt  }
0x76: {  	_ =	shalt  }
0x77: {  	_ =	shalt  }
0x78: {  	_ =	shalt  }
0x79: {  	_ =	shalt  }
0x7a: {  	_ =	shalt  }
0x7b: {  	_ =	shalt  }
0x7c: {  	_ =	shalt  }
0x7d: {  	_ =	shalt  }
0x7e: {  	_ =	shalt  }
0x7f: {  	_ =	shalt  }
0x80: {  	_ =	shalt  }
0x81: {  	_ =	shalt  }
0x82: {  	_ =	shalt  }
0x83: {  	_ =	shalt  }
0x84: {  	_ =	shalt  }
0x85: {  	_ =	shalt  }
0x86: {  	_ =	shalt  }
0x87: {  	_ =	shalt  }
.Lfunc_end0:
.L_simem_size_0:
called_computation_lowered:
.L_overlay_start_0:
0x88: {  	s2 =	sld [smem:$0x3FD9]  }
0x89: {  	s3 =	sld [smem:$0x3FFE];
	_ =	sdelay $0x1  }
0x8a: {  	s1 =	srdreg.scid  }
0x8b: {  	s0 =	sand.u32 $0x1, s1  }
0x8c: {  	s17 =	sshll.u32 s0, $0xA;
	s2 =	sadd.s32 s3, s2  }
0x8d: {  	s2 =	sadd.s32 s2, s17  }
0x8e: {  	[smem:$0x3FC7] =	sst s2  }
0x8f: {  	_ = 	snop  }
0x90: {  	s2 =	sld [smem:$0x3FC9];
	(tm) =	ssettm $0x1  }
0x91: {  	s18 =	sld [smem:$0x3FFB];
	_ =	sdelay $0x3  }
0x92: {  	_ =	strace s18  }
0x93: {  	s3 =	sld [smem:$0x3FFC];
	_ =	sdelay $0x3  }
0x94: {  	_ =	strace s3  }
0x95: {  	s3 =	sld [smem:$0x3FFD];
	_ =	sdelay $0x3  }
0x96: {  	_ =	strace s3  }
0x97: {  	_ =	strace $0x8FFFFFFF  }
0x98: {  	s19 =	sld [smem:$0x3FDB];
	_ =	sdelay $0x1  }
0x99: {  	s4 =	simm.s32 $_scs_section_size  }
0x9a: {  	s5 =	simm.s32 $_size__tile_overlayer_lowered;
	s6 =	simm.s32 $_tile_overlayer_lowered  }
0x9b: {  	s22 =	simm.s32 $0x1BFF;
	s21 =	sshll.u32 s6, $0x1;
	s3 =	sadd.s32 s4, s19  }
0x9c: {  	s7 =	simm.s32 $0x0;
	s20 =	sshll.u32 s5, $0x1;
	s5 =	sadd.s32 s21, s3  }
0x9d: {  	[timem:s7], [sflag:s22] =	dma.local [hbm:s5], s20  }
0x9e: {  	_ =	swait.ge [sflag:s22], s20  }
0x9f: {  	s4 =	ssub.s32 $0x0, s20;
	[sflag:s22] =	ssyncset.done $0x0  }
0xa0: {  	[sflag:s22] =	ssyncadd.s32 s4;
	_ =	sdelay $0x1  }
0xa1: {  	s23 =	simm.s32 $0x1B8B  }
0xa2: {  	_ =	swait.ge [sflag:s23], $0x1  }
0xa3: {  	[sflag:s23] =	ssyncset.done $0x0  }
0xa4: {  	s25 =	simm.s32 $0x1B8E;
	s24 =	sld [smem:$0x3FFE];
	[sflag:s23] =	ssyncadd.s32 $0xFFFFFFFF  }
0xa5: {  	s26 =	simm.s32 $execute0_lowered;
	[smem:$0x3FD2] =	sst s25  }
0xa6: {  	s5 =	sshll.u32 s26, $0x1;
	_ =	strace $0x80000046;
	[dreg:$0x1] =	wrdreg $0xFFFFFFFF  }
0xa7: {  	s28 =	simm.s32 $_size_execute0_lowered;
	s3 =	sadd.s32 s3, s5;
	[dreg:$0x0] =	wrdreg $0x0  }
0xa8: {  	s5 =	sshll.u32 s28, $0x1;
	[dreg:$0x2] =	wrdreg s3  }
0xa9: {  	[dreg:$0x3] =	wrdreg s5  }
0xaa: {  	[dreg:$0x4] =	wrdreg $0xC0  }
0xab: {  	_ =	task [dreg:s7], $0x5FFFF  }
0xac: {  	[dreg:$0x1] =	wrdreg $0xFFFFFFFF  }
0xad: {  	[dreg:$0x0] =	wrdreg $0x60  }
0xae: {  	[dreg:$0x2] =	wrdreg s2  }
0xaf: {  	[dreg:$0x3] =	wrdreg s24  }
0xb0: {  	[dreg:$0x4] =	wrdreg $0x9  }
0xb1: {  	_ =	task.clear_ibuf [dreg:s7], $0x5FFFF;
	_ =	strace $0x90000046  }
0xb2: {  	s29 =	simm.s32 $0x9;
	_ =	strace $0x80000048  }
0xb3: {  	_ =	swait.ge [sflag:s29], $0x1  }
0xb4: {  	[sflag:s29] =	ssyncadd.s32 $0xFFFFFFFF  }
0xb5: {  	_ =	strace $0x90000048  }
0xb6: {  	_ =	sfence  }
0xb7: {  	s30 =	sld [smem:$0x0];
	_ =	sdelay $0x2  }
0xb8: {  	s31 =	sshll.u32 s1, $0xD;
	s1 =	sshrl.u32 s1, $0x2  }
0xb9: {  	s3 =	sand.u32 $0x4000, s31;
	s1 =	sadd.s32 s1, s30  }
0xba: {  	s0 =	sor.u32 s3, s0;
	s1 =	sshll.u32 s1, $0x11  }
0xbb: {  	s0 =	sor.u32 s1, s0  }
0xbc: {  	s0 =	sadd.s32 $0x8F2B, s0  }
0xbd: {  	[sflag:s0] =	ssyncadd.remote.s32 $0x1  }
0xbe: {  	_ =	sfence.sel $0xFFFF  }
0xbf: {  	[dreg:$0x0] =	wrdreg $0xFFFFFFFF;
	(pc) =	sbr.abs _section_cstart, $3  }
0xc0: {  	[dreg:$0x1] =	wrdreg $0xFFFFFFFF  }
0xc1: {  	_ =	task.clear_ibuf [dreg:s7], $0x2FFFF;
	_ =	strace $0x9FFFFFFF  }
0xc2: {  	(tm) =	ssettm $0x7FFFFFFF  }
0xc3: {  	_ =	shalt  }
tec
execute0_lowered:
.L_overlay_start_1:
0x0: {  	(tag) =	ssettag $0x1  }
0x1: {  	s0 =	srdreg.scid  }
0x2: {  	s2 =	stileid.u32;
	s11 =	rddreg [dreg:$0x0];
	s3 =	simm.s32 $0x1  }
0x3: {  	s4 =	rddreg [dreg:$0x1];
	s17 =	simm.s32 $0x6400;
	s19 =	simm.s32 $0x2  }
0x4: {  	s20 =	simm.s32 $0x3;
	s22 =	simm.s32 $0x4;
	s0 =	sand.u32 $0x1, s0  }
0x5: {  	s24 =	simm.s32 $0x0;
	s16 =	sand.u32 $0x3, s2;
	s1 =	sshll.u32 s0, $0x4  }
0x6: {  	p0 =	sne.s32 s16, $0x0;
	s29 =	smul.u32 $0x30C00, s16;
	s1 =	sor.u32 s2, s1  }
0x7: {  	s0 =	ssub.s32 $0x2, s0;
	s2 =	simm.s32 $0x0;
	p1 =	seq.s32 s1, $0x0  }
0x8: {  	s30 =	sshrl.u32 s0, $0x1;
	s5 =	sshrl.u32 s1, $0x2;
	p1 =	por !p0, !p1  }
0x9: {  	[smem:$0x7FF] =	sst s2;
	s1 =	sshll.u32 s1, $0x1;
	p1 =	por !p1, !p1  }
0xa: {  	s0 =	ssub.s32 s0, s30;
	_ =	strace $0x80000047;
	s3 =	simm.s32 @!p1 $0x0  }
0xb: {  	s1 =	sadd.s32 s1, s4;
	s15 =	smax.u32 s0, $0x1;
	s5 =	ssub.s32 s5, s3  }
0xc: {  	s13 =	sadd.s32 $0xE00, s1;
	p1 =	seq.s32 s16, $0x3;
	s6 =	sshll.u32 s5, $0x7  }
0xd: {  	s26 =	smul.u32 $0xC3800, s5;
	s7 =	sand.u32 $0x1FFFFF80, s6;
	s28 =	sshrl.u32 s6, $0x3  }
0xe: {  	s8 =	sadd.s32 s7, s4;
	s14 =	sadd.s32 s28, s4;
	s4 =	smul.u32 $0x6180, s16  }
0xf: {  	s3 =	simm.s32 $0x1;
	s6 =	sadd.s32 s29, s26;
	s16 =	smul.u32 $0x618, s16  }
.Ltmp0:
0x10: {  	s12 =	sshrl.u32 s26, $0x3;
	s31 =	sshrl.u32 s6, $0x3;
	(pc) =	sbr.rel .LBB2_1-.Ltmp0, $4  }
0x11: {  	s8 =	sadd.s32 $0x800, s8;
	s14 =	sadd.s32 $0x1000, s14;
	s5 =	sadd.s32 s11, s31  }
0x12: {  	v0 =	vlaneseq.u32;
	vm0 =	vcmask $0x320;
	vm1 =	vcmask $0x720;
	s9 =	sadd.s32 s4, s11;
	s7 =	sadd.s32 $0x5500, s4;
	s10 =	sadd.s32 $0xC80, s4  }
0x13: {  	vm2 =	vcmask $0xB20;
	vm3 =	vcmask $0xF20;
	vm4 =	vcmask $0x1320;
	s11 =	sadd.s32 s11, s12;
	s6 =	sadd.s32 $0xC80, s5;
	s9 =	sadd.s32 s12, s9  }
0x14: {  	vm5 =	vcmask $0x1720;
	vm6 =	vcmask $0x1B20;
	v0 =	vmul.u32 $0xFFFFFFFF, v0;
	s7 =	simm.s32 @p1 $0x17A00;
	s12 =	sadd.s32 $0xC00, s1;
	s9 =	sadd.s32 $0x1900, s9  }
.LBB2_8:
0x15: {  	_ =	swait.ge [sflag:s20], $0x400  }
0x16: {  	[sflag:s20] =	ssyncset.done $0x0  }
0x17: {  	[sflag:s20] =	ssyncadd.s32 $0xFFFFFC00  }
0x18: {  	v10 =	vld [tilespmem:$0xC800];
	_ =	sdelay $0x1  }
0x19: {  	v12 =	vld [tilespmem:$0xC810];
	_ =	sdelay $0x2  }
0x1a: {  	vm7 =	vgt.f32 v10, v24  }
0x1b: {  	v10 =	vsel vm7, v10, v24  }
0x1c: {  	vm8 =	vgt.f32 v12, v10  }
0x1d: {  	v19 =	vsel vm8, v12, v10  }
0x1e: {  	(xrf0) =	vmax.scan.msk.f32 $0xffff, v19;
	_ =	sdelay $0x5  }
0x1f: {  	v10 =	vadd.s32 $0xF, v0;
	v52, _, _ =	vpop (xrf0)  }
0x20: {  	v12 =	vperm.xlane v52, v10;
	_ =	sdelay $0x1  }
0x21: {  	(xrf0) =	vmax.scan.msk.f32 $0xffff, v12;
	_ =	sdelay $0x1  }
0x22: {  	v53 =	vshll.u32 v15, $0x4  }
0x23: {  	v12 =	vsub.s32 v0, v53;
	_ =	sdelay $0x1  }
0x24: {  	v14 =	vadd.s32 $0x7FFE7980, v0;
	v54 =	vxor.u32 $0x80000000, v12  }
0x25: {  	v15 =	vadd.s32 $0x7FFE7970, v0;
	v20 =	vsel vm7, v14, v54;
	v12, _, _ =	vpop (xrf0)  }
0x26: {  	v55 =	vsel vm8, v15, v20;
	vm7 =	veq.f32 v19, v12  }
0x27: {  	v19 =	vnsel vm7, $0x1, v55  }
0x28: {  	(xrf0) =	vmax.scan.msk.u32 $0xffff, v19;
	_ =	sdelay $0x2  }
0x29: {  	v56 =	vld [tilespmem:$0xC880];
	_ =	sdelay $0x1  }
0x2a: {  	v57 =	vld [tilespmem:$0xC890]  }
0x2b: {  	v21, _, _ =	vpop (xrf0)  }
0x2c: {  	v21 =	vxor.u32 $0x80000000, v21  }
0x2d: {  	vm7 =	vgt.f32 v56, v16;
	v21 =	vperm.xlane v21, v10  }
0x2e: {  	v16 =	vsel vm7, v56, v16  }
0x2f: {  	vm8 =	vgt.f32 v57, v16;
	v58 =	vxor.u32 $0x80000000, v21  }
0x30: {  	v59 =	vsel vm8, v57, v16;
	(xrf0) =	vmax.scan.msk.u32 $0xffff, v58  }
0x31: {  	(xrf0) =	vmax.scan.msk.f32 $0xffff, v59;
	_ =	sdelay $0x4  }
0x32: {  	v60, _, _ =	vpop (xrf0)  }
0x33: {  	v61, _, _ =	vpop (xrf0)  }
0x34: {  	v20 =	vperm.xlane v61, v10;
	_ =	sdelay $0x1  }
0x35: {  	(xrf0) =	vmax.scan.msk.f32 $0xffff, v20;
	_ =	sdelay $0x2  }
0x36: {  	v11 =	vshll.u32 v11, $0x4  }
0x37: {  	v11 =	vsub.s32 v0, v11  }
0x38: {  	v62 =	vxor.u32 $0x80000000, v11  }
0x39: {  	v20 =	vsel vm7, v14, v62;
	v63, _, _ =	vpop (xrf0)  }
0x3a: {  	v24 =	vsel vm8, v15, v20;
	vm7 =	veq.f32 v59, v63  }
0x3b: {  	v19 =	vnsel vm7, $0x1, v24  }
0x3c: {  	(xrf0) =	vmax.scan.msk.u32 $0xffff, v19;
	_ =	sdelay $0x2  }
0x3d: {  	v25 =	vld [tilespmem:$0xC900];
	_ =	sdelay $0x1  }
0x3e: {  	v26 =	vld [tilespmem:$0xC910]  }
0x3f: {  	v27, _, _ =	vpop (xrf0)  }
0x40: {  	v21 =	vxor.u32 $0x80000000, v27  }
0x41: {  	vm7 =	vgt.f32 v25, v18;
	v21 =	vperm.xlane v21, v10  }
0x42: {  	v18 =	vsel vm7, v25, v18  }
0x43: {  	vm8 =	vgt.f32 v26, v18;
	v28 =	vxor.u32 $0x80000000, v21  }
0x44: {  	v29 =	vsel vm8, v26, v18;
	(xrf0) =	vmax.scan.msk.u32 $0xffff, v28  }
0x45: {  	(xrf0) =	vmax.scan.msk.f32 $0xffff, v29;
	_ =	sdelay $0x4  }
0x46: {  	v30, _, _ =	vpop (xrf0)  }
0x47: {  	v31, _, _ =	vpop (xrf0)  }
0x48: {  	v20 =	vperm.xlane v31, v10;
	_ =	sdelay $0x1  }
0x49: {  	(xrf0) =	vmax.scan.msk.f32 $0xffff, v20;
	_ =	sdelay $0x2  }
0x4a: {  	v9 =	vshll.u32 v9, $0x4  }
0x4b: {  	v9 =	vsub.s32 v0, v9  }
0x4c: {  	v32 =	vxor.u32 $0x80000000, v9  }
0x4d: {  	v20 =	vsel vm7, v14, v32;
	v33, _, _ =	vpop (xrf0)  }
0x4e: {  	v34 =	vsel vm8, v15, v20;
	vm7 =	veq.f32 v29, v33  }
0x4f: {  	v19 =	vnsel vm7, $0x1, v34  }
0x50: {  	(xrf0) =	vmax.scan.msk.u32 $0xffff, v19;
	_ =	sdelay $0x2  }
0x51: {  	v35 =	vld [tilespmem:$0xC980];
	_ =	sdelay $0x1  }
0x52: {  	v36 =	vld [tilespmem:$0xC990]  }
0x53: {  	v37, _, _ =	vpop (xrf0)  }
0x54: {  	v21 =	vxor.u32 $0x80000000, v37  }
0x55: {  	vm7 =	vgt.f32 v35, v17;
	v21 =	vperm.xlane v21, v10  }
0x56: {  	v17 =	vsel vm7, v35, v17  }
0x57: {  	vm8 =	vgt.f32 v36, v17;
	v38 =	vxor.u32 $0x80000000, v21  }
0x58: {  	v17 =	vsel vm8, v36, v17;
	(xrf0) =	vmax.scan.msk.u32 $0xffff, v38  }
0x59: {  	(xrf0) =	vmax.scan.msk.f32 $0xffff, v17;
	_ =	sdelay $0x4  }
0x5a: {  	v19, _, _ =	vpop (xrf0)  }
0x5b: {  	v39, _, _ =	vpop (xrf0)  }
0x5c: {  	v20 =	vperm.xlane v39, v10;
	_ =	sdelay $0x1  }
0x5d: {  	(xrf0) =	vmax.scan.msk.f32 $0xffff, v20;
	_ =	sdelay $0x2  }
0x5e: {  	v8 =	vshll.u32 v8, $0x4  }
0x5f: {  	v8 =	vsub.s32 v0, v8  }
0x60: {  	v8 =	vxor.u32 $0x80000000, v8  }
0x61: {  	v8 =	vsel vm7, v14, v8;
	v20, _, _ =	vpop (xrf0)  }
0x62: {  	v8 =	vsel vm8, v15, v8;
	vm7 =	veq.f32 v17, v20  }
0x63: {  	v8 =	vnsel vm7, $0x1, v8  }
0x64: {  	(xrf0) =	vmax.scan.msk.u32 $0xffff, v8;
	_ =	sdelay $0x2  }
0x65: {  	v40 =	vld [tilespmem:$0xCA00];
	_ =	sdelay $0x1  }
0x66: {  	v41 =	vld [tilespmem:$0xCA10]  }
0x67: {  	v42, _, _ =	vpop (xrf0)  }
0x68: {  	v21 =	vxor.u32 $0x80000000, v42  }
0x69: {  	vm7 =	vgt.f32 v40, v13;
	v21 =	vperm.xlane v21, v10  }
0x6a: {  	v8 =	vsel vm7, v40, v13  }
0x6b: {  	vm8 =	vgt.f32 v41, v8;
	v43 =	vxor.u32 $0x80000000, v21  }
0x6c: {  	v8 =	vsel vm8, v41, v8;
	(xrf0) =	vmax.scan.msk.u32 $0xffff, v43  }
0x6d: {  	(xrf0) =	vmax.scan.msk.f32 $0xffff, v8;
	_ =	sdelay $0x4  }
0x6e: {  	v13, _, _ =	vpop (xrf0)  }
0x6f: {  	v44, _, _ =	vpop (xrf0)  }
0x70: {  	v17 =	vperm.xlane v44, v10;
	_ =	sdelay $0x1  }
0x71: {  	(xrf0) =	vmax.scan.msk.f32 $0xffff, v17;
	_ =	sdelay $0x2  }
0x72: {  	v7 =	vshll.u32 v7, $0x4  }
0x73: {  	v7 =	vsub.s32 v0, v7  }
0x74: {  	v7 =	vxor.u32 $0x80000000, v7  }
0x75: {  	v7 =	vsel vm7, v14, v7;
	v17, _, _ =	vpop (xrf0)  }
0x76: {  	v7 =	vsel vm8, v15, v7;
	vm7 =	veq.f32 v8, v17  }
0x77: {  	v7 =	vnsel vm7, $0x1, v7  }
0x78: {  	(xrf0) =	vmax.scan.msk.u32 $0xffff, v7;
	_ =	sdelay $0x2  }
0x79: {  	v45 =	vld [tilespmem:$0xCA80];
	_ =	sdelay $0x1  }
0x7a: {  	v46 =	vld [tilespmem:$0xCA90]  }
0x7b: {  	v47, _, _ =	vpop (xrf0)  }
0x7c: {  	v21 =	vxor.u32 $0x80000000, v47  }
0x7d: {  	vm7 =	vgt.f32 v45, v6;
	v21 =	vperm.xlane v21, v10  }
0x7e: {  	v6 =	vsel vm7, v45, v6  }
0x7f: {  	vm8 =	vgt.f32 v46, v6;
	v48 =	vxor.u32 $0x80000000, v21  }
0x80: {  	v6 =	vsel vm8, v46, v6;
	(xrf0) =	vmax.scan.msk.u32 $0xffff, v48  }
0x81: {  	(xrf0) =	vmax.scan.msk.f32 $0xffff, v6;
	_ =	sdelay $0x4  }
0x82: {  	v7, _, _ =	vpop (xrf0)  }
0x83: {  	v49, _, _ =	vpop (xrf0)  }
0x84: {  	v8 =	vperm.xlane v49, v10;
	_ =	sdelay $0x1  }
0x85: {  	(xrf0) =	vmax.scan.msk.f32 $0xffff, v8;
	_ =	sdelay $0x2  }
0x86: {  	v5 =	vshll.u32 v5, $0x4  }
0x87: {  	v5 =	vsub.s32 v0, v5  }
0x88: {  	v5 =	vxor.u32 $0x80000000, v5  }
0x89: {  	v5 =	vsel vm7, v14, v5;
	v8, _, _ =	vpop (xrf0)  }
0x8a: {  	v5 =	vsel vm8, v15, v5;
	vm7 =	veq.f32 v6, v8  }
0x8b: {  	v5 =	vnsel vm7, $0x1, v5  }
0x8c: {  	(xrf0) =	vmax.scan.msk.u32 $0xffff, v5;
	_ =	sdelay $0x2  }
0x8d: {  	v50 =	vld [tilespmem:$0xCB00];
	_ =	sdelay $0x1  }
0x8e: {  	v51 =	vld [tilespmem:$0xCB10]  }
0x8f: {  	v52, _, _ =	vpop (xrf0)  }
0x90: {  	v21 =	vxor.u32 $0x80000000, v52  }
0x91: {  	vm7 =	vgt.f32 v50, v4;
	v21 =	vperm.xlane v21, v10  }
0x92: {  	v4 =	vsel vm7, v50, v4  }
0x93: {  	vm8 =	vgt.f32 v51, v4;
	v53 =	vxor.u32 $0x80000000, v21  }
0x94: {  	v4 =	vsel vm8, v51, v4;
	(xrf0) =	vmax.scan.msk.u32 $0xffff, v53  }
0x95: {  	(xrf0) =	vmax.scan.msk.f32 $0xffff, v4;
	_ =	sdelay $0x4  }
0x96: {  	v5, _, _ =	vpop (xrf0)  }
0x97: {  	v54, _, _ =	vpop (xrf0)  }
0x98: {  	v6 =	vperm.xlane v54, v10;
	_ =	sdelay $0x1  }
0x99: {  	(xrf0) =	vmax.scan.msk.f32 $0xffff, v6;
	_ =	sdelay $0x2  }
0x9a: {  	v3 =	vshll.u32 v3, $0x4  }
0x9b: {  	v3 =	vsub.s32 v0, v3  }
0x9c: {  	v3 =	vxor.u32 $0x80000000, v3  }
0x9d: {  	v3 =	vsel vm7, v14, v3;
	v6, _, _ =	vpop (xrf0)  }
0x9e: {  	v3 =	vsel vm8, v15, v3;
	vm7 =	veq.f32 v4, v6  }
0x9f: {  	v3 =	vnsel vm7, $0x1, v3  }
0xa0: {  	(xrf0) =	vmax.scan.msk.u32 $0xffff, v3;
	_ =	sdelay $0x2  }
0xa1: {  	v3 =	vld [tilespmem:$0xCB80];
	_ =	sdelay $0x1  }
0xa2: {  	v55 =	vld [tilespmem:$0xCB90]  }
0xa3: {  	v56, _, _ =	vpop (xrf0)  }
0xa4: {  	v21 =	vxor.u32 $0x80000000, v56  }
0xa5: {  	vm7 =	vgt.f32 v3, v2;
	v21 =	vperm.xlane v21, v10  }
0xa6: {  	v2 =	vsel vm7, v3, v2  }
0xa7: {  	vm8 =	vgt.f32 v55, v2;
	v3 =	vxor.u32 $0x80000000, v21  }
0xa8: {  	v2 =	vsel vm8, v55, v2;
	(xrf0) =	vmax.scan.msk.u32 $0xffff, v3  }
0xa9: {  	(xrf0) =	vmax.scan.msk.f32 $0xffff, v2;
	_ =	sdelay $0x4  }
0xaa: {  	v3, _, _ =	vpop (xrf0)  }
0xab: {  	v57, _, _ =	vpop (xrf0)  }
0xac: {  	v4 =	vperm.xlane v57, v10;
	_ =	sdelay $0x1  }
0xad: {  	(xrf0) =	vmax.scan.msk.f32 $0xffff, v4;
	_ =	sdelay $0x2  }
0xae: {  	v1 =	vshll.u32 v1, $0x4  }
0xaf: {  	v1 =	vsub.s32 v0, v1  }
0xb0: {  	v1 =	vxor.u32 $0x80000000, v1  }
0xb1: {  	v1 =	vsel vm7, v14, v1;
	v4, _, _ =	vpop (xrf0)  }
0xb2: {  	v1 =	vsel vm8, v15, v1;
	vm7 =	veq.f32 v2, v4  }
0xb3: {  	v1 =	vnsel vm7, $0x1, v1  }
0xb4: {  	(xrf0) =	vmax.scan.msk.u32 $0xffff, v1;
	_ =	sdelay $0x5  }
0xb5: {  	v1, _, _ =	vpop (xrf0)  }
0xb6: {  	v1 =	vxor.u32 $0x80000000, v1  }
0xb7: {  	v1 =	vperm.xlane v1, v10  }
0xb8: {  	v59 =	vxor.u32 $0x7FFFFFFF, v30;
	v62 =	vxor.u32 $0x7FFFFFFF, v13;
	v7 =	vxor.u32 $0x7FFFFFFF, v7  }
0xb9: {  	v9 =	vadd.s32 $0x1, v62;
	v7 =	vadd.s32 $0x1, v7;
	v1 =	vxor.u32 $0x80000000, v1  }
0xba: {  	v5 =	vxor.u32 $0x7FFFFFFF, v5;
	v2 =	vxor.u32 $0x7FFFFFFF, v60;
	vm7 =	vmmov $0x1;
	(xrf0) =	vmax.scan.msk.u32 $0xffff, v1  }
0xbb: {  	v60 =	vxor.u32 $0x7FFFFFFF, v19;
	v2 =	vadd.s32 $0x1, v2;
	v58 =	vnsel vm7, $0x0, v12  }
0xbc: {  	v2 =	vnsel vm7, $0x0, v2;
	v12 =	vadd.s32 $0x1, v59;
	v1 =	vsel vm0, v58, v63  }
0xbd: {  	v61 =	vadd.s32 $0x1, v60;
	v2 =	vsel vm0, v2, v12;
	v1 =	vsel vm1, v1, v33  }
0xbe: {  	v5 =	vadd.s32 $0x1, v5;
	v2 =	vsel vm1, v2, v61;
	v1 =	vsel vm2, v1, v20  }
0xbf: {  	v3 =	vxor.u32 $0x7FFFFFFF, v3;
	v2 =	vsel vm2, v2, v9;
	v1 =	vsel vm3, v1, v17  }
0xc0: {  	v3 =	vadd.s32 $0x1, v3;
	v2 =	vsel vm3, v2, v7;
	v1 =	vsel vm4, v1, v8;
	v63, _, _ =	vpop (xrf0)  }
0xc1: {  	v2 =	vsel vm4, v2, v5;
	v1 =	vsel vm5, v1, v6;
	v5 =	vxor.u32 $0x7FFFFFFF, v63  }
0xc2: {  	v2 =	vsel vm5, v2, v3;
	v1 =	vsel vm6, v1, v4;
	v3 =	vadd.s32 $0x1, v5  }
0xc3: {  	[tilespmem:$0xCC00] =	vst v1;
	v2 =	vsel vm6, v2, v3  }
0xc4: {  	s0 =	simm.s32 $0xCC00;
	[tilespmem:$0xCC80] =	vst v2  }
0xc5: {  	[hbm4b:s12+s2] =	stream.linear.scatter [tilespmem:s0], [sflag:$0x4], $0x10, $0x38;
	[tilespmem:$0xCE00] =	vst v63  }
0xc6: {  	_ =	swait.ge [sflag:s22], $0x10  }
0xc7: {  	[sflag:s22] =	ssyncset.done $0x0  }
0xc8: {  	s31 =	simm.s32 $0xCC80;
	[sflag:s22] =	ssyncadd.s32 $0xFFFFFFF0  }
0xc9: {  	[hbm4b:s13+s2] =	stream.linear.scatter [tilespmem:s31], [sflag:$0x4], $0x10, $0x38;
	[tilespmem:$0xCE00] =	vst v63  }
0xca: {  	_ =	swait.ge [sflag:s22], $0x10  }
0xcb: {  	[sflag:s22] =	ssyncset.done $0x0  }
0xcc: {  	[sflag:s22] =	ssyncadd.s32 $0xFFFFFFF0  }
0xcd: {  	s1 =	simm.s32 @!p0 $0xCD00;
	s0 =	simm.s32 @!p0 $0x0;
	[bflag:$0x0] =	sbarrier.arrive $0xFFFF  }
0xce: {  	[tilespmem:s1], [sflag:$0x4] =	stream.linear.gather @!p0 [hbm4b:s12+s0], $0x40, $0x38;
	[tilespmem:$0xCE00] =	vst v63  }
0xcf: {  	s1 =	simm.s32 @!p0 $0x4  }
0xd0: {  	_ =	swait.ge @!p0 [sflag:s1], $0x40  }
0xd1: {  	[sflag:s1] =	ssyncset.done @!p0 $0x0  }
0xd2: {  	s18 =	simm.s32 @!p0 $0xCD80;
	[sflag:s1] =	ssyncadd.s32 @!p0 $0xFFFFFFC0  }
0xd3: {  	[tilespmem:s18], [sflag:$0x4] =	stream.linear.gather @!p0 [hbm4b:s13+s0], $0x40, $0x38;
	[tilespmem:$0xCE00] =	vst v63  }
0xd4: {  	_ =	swait.ge @!p0 [sflag:s1], $0x40  }
0xd5: {  	[sflag:s1] =	ssyncset.done @!p0 $0x0  }
0xd6: {  	[sflag:s1] =	ssyncadd.s32 @!p0 $0xFFFFFFC0  }
0xd7: {  	v1 =	vld @!p0 [tilespmem:$0xCD00]  }
0xd8: {  	v2 =	vld @!p0 [tilespmem:$0xCD80]  }
0xd9: {  	v3 =	vld @!p0 [tilespmem:$0xCD10]  }
0xda: {  	v4 =	vld @!p0 [tilespmem:$0xCD90];
	_ =	sdelay $0x2  }
0xdb: {  	v5 =	vld @!p0 [tilespmem:$0xCD20]  }
0xdc: {  	v6 =	vld @!p0 [tilespmem:$0xCDA0]  }
0xdd: {  	vm7 =	veq.f32 @!p0 v1, v3;
	vm8 =	vlt.s32 @!p0 v2, v4  }
0xde: {  	vm9 =	vgt.f32 @!p0 v1, v3;
	vm7 =	vmand @!p0 vm7, vm8  }
0xdf: {  	v7 =	vld @!p0 [tilespmem:$0xCD30];
	vm7 =	vmor @!p0 vm9, vm7  }
0xe0: {  	v1 =	vsel @!p0 vm7, v1, v3;
	v2 =	vsel @!p0 vm7, v2, v4;
	v3 =	vld @!p0 [tilespmem:$0xCDB0]  }
0xe1: {  	vm7 =	veq.f32 @!p0 v1, v5;
	vm8 =	vlt.s32 @!p0 v2, v6  }
0xe2: {  	vm9 =	vgt.f32 @!p0 v1, v5;
	vm7 =	vmand @!p0 vm7, vm8  }
0xe3: {  	vm7 =	vmor @!p0 vm9, vm7  }
0xe4: {  	v1 =	vsel @!p0 vm7, v1, v5;
	v2 =	vsel @!p0 vm7, v2, v6  }
0xe5: {  	vm7 =	veq.f32 @!p0 v1, v7;
	vm8 =	vlt.s32 @!p0 v2, v3  }
0xe6: {  	vm9 =	vgt.f32 @!p0 v1, v7;
	vm7 =	vmand @!p0 vm7, vm8  }
0xe7: {  	s24 =	sadd.s32 $0x1, s24;
	vm7 =	vmor @!p0 vm9, vm7  }
0xe8: {  	p1 =	sne.s32 s24, s15;
	v1 =	vsel @!p0 vm7, v2, v3  }
.Ltmp1:
0xe9: {  	s18 =	simm.s32 @!p0 $0xCC80;
	[tilespmem:$0xCC80] =	vst @!p0 v1;
	(pc) =	sbr.rel @!p1 .LBB2_9-.Ltmp1, $4  }
0xea: {  	[hbm4b:s14+s0] =	stream.linear.scatter @!p0 [tilespmem:s18], [sflag:$0x4], $0x80, $0x38;
	[tilespmem:$0xCE00] =	vst v63  }
0xeb: {  	_ =	swait.ge @!p0 [sflag:s1], $0x80  }
0xec: {  	[sflag:s1] =	ssyncset.done @!p0 $0x0  }
0xed: {  	[sflag:s1] =	ssyncadd.s32 @!p0 $0xFFFFFF80  }
.LBB2_1:
0xee: {  	v2 =	vimm.f32 $-Inf  }
0xef: {  	[tilespmem:s2], [sflag:$0x1] =	stream.linear.gather [hbm4b:s5+s2], $0x6400, $0x38;
	v1 =	vimm.s32 $0x0;
	v3 =	vimm.s32 $0x0;
	v4 =	vimm.f32 $-Inf;
	[tilespmem:$0xCE00] =	vst v63  }
0xf0: {  	v5 =	vimm.s32 $0x0;
	v6 =	vimm.f32 $-Inf;
	v7 =	vimm.s32 $0x0  }
0xf1: {  	v13 =	vimm.f32 $-Inf;
	v8 =	vimm.s32 $0x0;
	v17 =	vimm.f32 $-Inf;
	[tilespmem:s17], [sflag:$0x2] =	stream.linear.gather [hbm4b:s6+s2], $0x6400, $0x38;
	[tilespmem:$0xCE00] =	vst v63  }
0xf2: {  	s0 =	simm.s32 $0xC800;
	v9 =	vimm.s32 $0x0;
	v18 =	vimm.f32 $-Inf;
	v11 =	vimm.s32 $0x0;
	s25 =	smov.u32 s16;
	s26 =	simm.s32 $0x0  }
0xf3: {  	v16 =	vimm.f32 $-Inf;
	v15 =	vimm.s32 $0x0;
	v24 =	vimm.f32 $-Inf;
	[tilespmem:s0], [sflag:$0x3] =	stream.linear.gather [hbm4b:s8+s2], $0x400, $0x38;
	[tilespmem:$0xCE00] =	vst v63  }
.LBB2_2:
0xf4: {  	_ =	swait.ge [sflag:s3], $0x6400;
	s0 =	simm.s32 $0x0  }
0xf5: {  	[sflag:s3] =	ssyncset.done $0x0;
	s1 =	sand.u32 $0x70, s0;
	s18 =	sand.u32 $0x7C00, s0  }
0xf6: {  	[sflag:s3] =	ssyncadd.s32 $0xFFFF9C00;
	s1 =	sor.u32 s1, s18  }
0xf7: {  	v12 =	vld [tilespmem:s1+$0x0]  }
0xf8: {  	v14 =	vld [tilespmem:s1+$0x80]  }
0xf9: {  	v25 =	vld [tilespmem:s1+$0x100]  }
0xfa: {  	s0 =	sand.u32 $0x7, s0;
	v26 =	vld [tilespmem:s1+$0x180]  }
0xfb: {  	s0 =	sshll.u32 s0, $0x4;
	v27 =	vld [tilespmem:s1+$0x200]  }
0xfc: {  	s23 =	simm.s32 $0x10;
	s30 =	simm.s32 $0x80;
	s0 =	sadd.s32 $0x0, s0;
	v20 =	vld [tilespmem:s1+$0x280]  }
0xfd: {  	s28 =	sand.u32 $0x7C00, s30;
	s18 =	sand.u32 $0x70, s23;
	v22 =	vld [tilespmem:s1+$0x300];
	s0 =	sor.u32 $0x380, s0  }
0xfe: {  	s31 =	sor.u32 s18, s28;
	v23 =	vld [tilespmem:s0+$0x0]  }
0xff: {  	v21 =	vld [tilespmem:s31+$0x0];
	vm8 =	vgt.f32 v12, v24;
	vm7 =	vgt.f32 v14, v16  }
0x100: {  	v10 =	vld [tilespmem:s31+$0x80];
	vm10 =	vgt.f32 v25, v18;
	vm9 =	vgt.f32 v27, v13;
	v12 =	vsel vm8, v12, v24  }
0x101: {  	s29 =	smov.u32 s25;
	s1 =	simm.s32 $0x1;
	v19 =	vld [tilespmem:s31+$0x100];
	v15 =	vsel vm8, s25, v15;
	v14 =	vsel vm7, v14, v16;
	vm8 =	vgt.f32 v26, v17  }
0x102: {  	s28 =	smul.u32 $0x1900, s26;
	s18 =	sand.u32 $0x7, s1;
	s0 =	simm.s32 $0x20;
	v16 =	vld [tilespmem:s31+$0x180];
	v18 =	vsel vm10, v25, v18;
	v13 =	vsel vm9, v27, v13;
	v17 =	vsel vm8, v26, v17  }
.LBB2_3:
0x103: {  	p1 =	sne.s32 s0, $0xC70;
	s18 =	sshll.u32 s18, $0x4;
	v24 =	vld [tilespmem:s31+$0x200];
	vm11 =	vgt.f32 v20, v6;
	vm12 =	vgt.f32 v22, v4;
	vm13 =	vgt.f32 v23, v2  }
0x104: {  	s18 =	sadd.s32 s18, s30;
	s30 =	sadd.s32 $0x80, s30;
	v6 =	vsel vm11, v20, v6;
	v20 =	vld [tilespmem:s31+$0x280];
	v4 =	vsel vm12, v22, v4;
	v2 =	vsel vm13, v23, v2;
	v25 =	vmovc v21  }
0x105: {  	s21 =	sand.u32 $0x70, s0;
	v11 =	vsel vm7, s29, v11;
	v9 =	vsel vm10, s29, v9;
	v1 =	vsel vm13, s29, v1;
	s23 =	sand.u32 $0x7C00, s30;
	v22 =	vld [tilespmem:s31+$0x300];
	s18 =	sor.u32 $0x380, s18  }
.Ltmp2:
0x106: {  	v8 =	vsel vm8, s29, v8;
	v7 =	vsel vm9, s29, v7;
	v5 =	vsel vm11, s29, v5;
	s31 =	sor.u32 s21, s23;
	v23 =	vld [tilespmem:s18+$0x0];
	v26 =	vmovc v19;
	(pc) =	sbr.rel @p1 .LBB2_3-.Ltmp2, $4  }
0x107: {  	v3 =	vsel vm12, s29, v3;
	s29 =	sadd.s32 $0x1, s29;
	vm8 =	vgt.f32 v25, v12;
	vm7 =	vgt.f32 v10, v14;
	v21 =	vld [tilespmem:s31+$0x0]  }
0x108: {  	v12 =	vsel vm8, v25, v12;
	v15 =	vsel vm8, s29, v15;
	v14 =	vsel vm7, v10, v14;
	v10 =	vld [tilespmem:s31+$0x80]  }
0x109: {  	s1 =	sadd.s32 $0x1, s1;
	vm10 =	vgt.f32 v26, v18;
	vm8 =	vgt.f32 v16, v17;
	vm9 =	vgt.f32 v24, v13;
	v19 =	vld [tilespmem:s31+$0x100]  }
0x10a: {  	s0 =	sadd.s32 $0x10, s0;
	s18 =	sand.u32 $0x7, s1;
	v18 =	vsel vm10, v26, v18;
	v17 =	vsel vm8, v16, v17;
	v13 =	vsel vm9, v24, v13;
	v16 =	vld [tilespmem:s31+$0x180]  }
0x10b: {  	s0 =	sshll.u32 s18, $0x4  }
0x10c: {  	v24 =	vld [tilespmem:s31+$0x200];
	s0 =	sadd.s32 s0, s30  }
0x10d: {  	v25 =	vld [tilespmem:s31+$0x280];
	p1 =	seq.s32 s26, $0x3;
	s0 =	sor.u32 $0x380, s0  }
0x10e: {  	s1 =	simm.s32 @!p1 $0x0;
	v27 =	vld [tilespmem:s0+$0x0];
	s0 =	sadd.s32 @!p1 s28, s9  }
0x10f: {  	v26 =	vld [tilespmem:s31+$0x300];
	vm11 =	vgt.f32 v20, v6;
	vm12 =	vgt.f32 v22, v4;
	vm13 =	vgt.f32 v23, v2;
	[tilespmem:s1], [sflag:$0x1] =	stream.linear.gather @!p1 [hbm4b:s0+s1], $0x6400, $0x38  }
0x110: {  	v9 =	vsel vm10, s29, v9;
	v8 =	vsel vm8, s29, v8;
	v7 =	vsel vm9, s29, v7;
	s0 =	simm.s32 $0x0;
	_ =	swait.ge [sflag:s19], $0x6400  }
0x111: {  	v6 =	vsel vm11, v20, v6;
	v4 =	vsel vm12, v22, v4;
	v2 =	vsel vm13, v23, v2;
	s21 =	sand.u32 $0x70, s0;
	s23 =	sand.u32 $0x7C00, s0;
	[sflag:s19] =	ssyncset.done $0x0  }
0x112: {  	v20 =	vsel vm7, s29, v11;
	v22 =	vsel vm13, s29, v1;
	v23 =	vsel vm11, s29, v5;
	s1 =	sor.u32 s21, s23;
	[sflag:s19] =	ssyncadd.s32 $0xFFFF9C00  }
0x113: {  	s18 =	sadd.s32 $0x1, s29;
	vm7 =	vgt.f32 v21, v12;
	v28 =	vsel vm12, s29, v3;
	vm8 =	vgt.f32 v10, v14;
	v29 =	vld [tilespmem:s1+$0x6400]  }
0x114: {  	v21 =	vsel vm7, v21, v12;
	v15 =	vsel vm7, s18, v15;
	vm7 =	vgt.f32 v19, v18;
	v30 =	vld [tilespmem:s1+$0x6480]  }
0x115: {  	v14 =	vsel vm8, v10, v14;
	vm9 =	vgt.f32 v16, v17;
	v18 =	vsel vm7, v19, v18;
	v31 =	vld [tilespmem:s1+$0x6500]  }
0x116: {  	vm10 =	vgt.f32 v24, v13;
	v19 =	vsel vm9, v16, v17;
	s0 =	sand.u32 $0x7, s0;
	vm11 =	vgt.f32 v25, v6;
	v32 =	vld [tilespmem:s1+$0x6580]  }
0x117: {  	s30 =	simm.s32 $0x80;
	vm12 =	vgt.f32 v26, v4;
	v24 =	vsel vm10, v24, v13;
	s0 =	sshll.u32 s0, $0x4;
	v3 =	vsel vm11, v25, v6;
	v33 =	vld [tilespmem:s1+$0x6600]  }
0x118: {  	s21 =	sadd.s32 s28, s10;
	v1 =	vsel vm12, v26, v4;
	s23 =	simm.s32 $0x10;
	v6 =	vsel vm8, s18, v20;
	v4 =	vsel vm7, s18, v9;
	s0 =	sadd.s32 $0x0, s0;
	v11 =	vld [tilespmem:s1+$0x6680]  }
0x119: {  	s28 =	sand.u32 $0x7C00, s30;
	v9 =	vsel vm9, s18, v8;
	v7 =	vsel vm10, s18, v7;
	s23 =	sand.u32 $0x70, s23;
	vm13 =	vgt.f32 v27, v2;
	v16 =	vld [tilespmem:s1+$0x6700];
	s0 =	sor.u32 $0x380, s0  }
0x11a: {  	v8 =	vsel vm11, s18, v23;
	v10 =	vsel vm12, s18, v28;
	s31 =	sor.u32 s23, s28;
	v2 =	vsel vm13, v27, v2;
	v23 =	vld [tilespmem:s0+$0x6400]  }
0x11b: {  	s21 =	smov.u32 @p1 s7;
	v5 =	vsel vm13, s18, v22;
	v22 =	vld [tilespmem:s31+$0x6400];
	vm8 =	vgt.f32 v29, v21;
	vm7 =	vgt.f32 v30, v14  }
0x11c: {  	s29 =	sshrl.u32 s21, $0x4;
	v12 =	vld [tilespmem:s31+$0x6480];
	vm10 =	vgt.f32 v31, v18;
	vm9 =	vgt.f32 v32, v19;
	v13 =	vsel vm8, v29, v21  }
0x11d: {  	s1 =	simm.s32 $0x1;
	v15 =	vsel vm8, s29, v15;
	v14 =	vsel vm7, v30, v14;
	v21 =	vld [tilespmem:s31+$0x6500];
	vm8 =	vgt.f32 v33, v24  }
0x11e: {  	s28 =	sshll.u32 s26, $0x1;
	s18 =	sand.u32 $0x7, s1;
	v17 =	vld [tilespmem:s31+$0x6580];
	s0 =	simm.s32 $0x20;
	v18 =	vsel vm10, v31, v18;
	v19 =	vsel vm9, v32, v19;
	v20 =	vsel vm8, v33, v24  }
.LBB2_5:
0x11f: {  	p2 =	sne.s32 s0, $0xC70;
	s18 =	sshll.u32 s18, $0x4;
	v24 =	vld [tilespmem:s31+$0x6600];
	vm11 =	vgt.f32 v11, v3;
	vm12 =	vgt.f32 v16, v1;
	vm13 =	vgt.f32 v23, v2  }
0x120: {  	s18 =	sadd.s32 s18, s30;
	s30 =	sadd.s32 $0x80, s30;
	v3 =	vsel vm11, v11, v3;
	v11 =	vld [tilespmem:s31+$0x6680];
	v1 =	vsel vm12, v16, v1;
	v2 =	vsel vm13, v23, v2;
	v25 =	vmovc v22  }
0x121: {  	s21 =	sand.u32 $0x70, s0;
	v6 =	vsel vm7, s29, v6;
	v4 =	vsel vm10, s29, v4;
	v5 =	vsel vm13, s29, v5;
	s23 =	sand.u32 $0x7C00, s30;
	v16 =	vld [tilespmem:s31+$0x6700];
	s18 =	sor.u32 $0x380, s18  }
.Ltmp3:
0x122: {  	v9 =	vsel vm9, s29, v9;
	v7 =	vsel vm8, s29, v7;
	v8 =	vsel vm11, s29, v8;
	s31 =	sor.u32 s21, s23;
	v23 =	vld [tilespmem:s18+$0x6400];
	v26 =	vmovc v21;
	(pc) =	sbr.rel @p2 .LBB2_5-.Ltmp3, $4  }
0x123: {  	v10 =	vsel vm12, s29, v10;
	s29 =	sadd.s32 $0x1, s29;
	vm8 =	vgt.f32 v25, v13;
	vm7 =	vgt.f32 v12, v14;
	v22 =	vld [tilespmem:s31+$0x6400]  }
0x124: {  	v13 =	vsel vm8, v25, v13;
	v15 =	vsel vm8, s29, v15;
	v14 =	vsel vm7, v12, v14;
	v12 =	vld [tilespmem:s31+$0x6480]  }
0x125: {  	s1 =	sadd.s32 $0x1, s1;
	vm10 =	vgt.f32 v26, v18;
	vm9 =	vgt.f32 v17, v19;
	vm8 =	vgt.f32 v24, v20;
	v21 =	vld [tilespmem:s31+$0x6500]  }
0x126: {  	s0 =	sadd.s32 $0x10, s0;
	s18 =	sand.u32 $0x7, s1;
	v18 =	vsel vm10, v26, v18;
	v19 =	vsel vm9, v17, v19;
	v20 =	vsel vm8, v24, v20;
	v17 =	vld [tilespmem:s31+$0x6580]  }
0x127: {  	vm11 =	vgt.f32 v11, v3  }
0x128: {  	vm12 =	vgt.f32 v16, v1;
	vm13 =	vgt.f32 v23, v2;
	v63 =	vsel vm7, s29, v6  }
0x129: {  	s0 =	sshll.u32 s18, $0x4;
	v25 =	vld [tilespmem:s31+$0x6600];
	v27 =	vsel vm10, s29, v4;
	v28 =	vsel vm9, s29, v9;
	v7 =	vsel vm8, s29, v7  }
0x12a: {  	v26 =	vld [tilespmem:s31+$0x6700];
	v3 =	vsel vm11, v11, v3;
	s0 =	sadd.s32 s0, s30;
	v1 =	vsel vm12, v16, v1;
	v2 =	vsel vm13, v23, v2  }
0x12b: {  	v11 =	vld [tilespmem:s31+$0x6680];
	v5 =	vsel vm13, s29, v5;
	v29 =	vsel vm11, s29, v8;
	vm7 =	vgt.f32 v22, v13;
	s0 =	sor.u32 $0x380, s0  }
0x12c: {  	v10 =	vsel vm12, s29, v10;
	s31 =	sadd.s32 $0x1, s29;
	vm8 =	vgt.f32 v12, v14;
	v24 =	vsel vm7, v22, v13;
	v9 =	vld [tilespmem:s0+$0x6400]  }
0x12d: {  	v15 =	vsel vm7, s31, v15;
	v16 =	vsel vm8, v12, v14;
	vm7 =	vgt.f32 v21, v18  }
0x12e: {  	vm9 =	vgt.f32 v17, v19;
	v18 =	vsel vm7, v21, v18;
	vm10 =	vgt.f32 v25, v20  }
.Ltmp4:
0x12f: {  	v17 =	vsel vm9, v17, v19;
	vm12 =	vgt.f32 v26, v1;
	v8 =	vsel vm9, s31, v28;
	(pc) =	sbr.rel @p1 .LBB2_8-.Ltmp4, $4  }
0x130: {  	v13 =	vsel vm10, v25, v20;
	vm11 =	vgt.f32 v11, v3;
	v4 =	vsel vm12, v26, v1  }
0x131: {  	v7 =	vsel vm10, s31, v7;
	v6 =	vsel vm11, v11, v3;
	vm13 =	vgt.f32 v9, v2  }
0x132: {  	v11 =	vsel vm8, s31, v63;
	v3 =	vsel vm12, s31, v10;
	v2 =	vsel vm13, v9, v2  }
0x133: {  	v9 =	vsel vm7, s31, v27;
	v1 =	vsel vm13, s31, v5;
	v5 =	vsel vm11, s31, v29  }
0x134: {  	s0 =	sadd.s32 $0x3, s28  }
0x135: {  	s1 =	smul.u32 $0xC80, s0  }
.Ltmp5:
0x136: {  	_ = 	snop;
	(pc) =	sbr.rel .LBB2_2-.Ltmp5, $4  }
0x137: {  	p1 =	seq.s32 s0, $0x7;
	s0 =	sadd.s32 s4, s1  }
0x138: {  	s0 =	smov.u32 @p1 s7  }
0x139: {  	s26 =	sadd.s32 $0x1, s26;
	s25 =	sadd.s32 $0x190, s25;
	s0 =	sadd.s32 s0, s11  }
0x13a: {  	[tilespmem:s17], [sflag:$0x2] =	stream.linear.gather [hbm4b:s0+s2], $0x6400, $0x38;
	[tilespmem:$0xCE00] =	vst v63  }
.LBB2_9:
0x13b: {  	_ =	sfence.sel $0x180000  }
0x13c: {  	[bflag:$0x0] =	sbarrier.arrive $0xFFFF  }
0x13d: {  	_ =	strace $0x90000047  }
0x13e: {  	s0 =	stileid.u32;
	[bflag:$0x2] =	sbarrier.arrive $0xFFFF  }
0x13f: {  	p0 =	sne.s32 s0, $0x0;
	s0 =	rddreg [dreg:$0x2]  }
0x140: {  	s0 =	sadd.s32 @!p0 $0x100000, s0  }
0x141: {  	[sflag:s0] =	ssyncadd.tile.s32 @!p0 $0x1;
	_ =	shalt  }
.Lfunc_end2:
_tile_overlayer_lowered:
.L_overlay_start_2:
0x142: {  	(tag) =	ssettag $0x2  }
0x143: {  	s0 =	rddreg [dreg:$0x0];
	s2 =	stileid.u32  }
0x144: {  	s1 =	rddreg [dreg:$0x1];
	p0 =	sne.s32 s2, $0x0  }
0x145: {  	s3 =	rddreg [dreg:$0x2];
	[bflag:$0x3] =	sbarrier.arrive $0xFFFF;
	s2 =	simm.s32 @!p0 $0x1C04  }
0x146: {  	[timem:s3], [sflag:s2] =	dma.local @!p0 [hbm:s0], s1  }
0x147: {  	s0 =	simm.s32 @!p0 $0x4  }
0x148: {  	_ =	swait.ge @!p0 [sflag:s0], s1  }
0x149: {  	s1 =	ssub.s32 @!p0 $0x0, s1;
	[sflag:s0] =	ssyncset.done @!p0 $0x0  }
0x14a: {  	[sflag:s0] =	ssyncadd.s32 @!p0 s1  }
0x14b: {  	[bflag:$0x3] =	sbarrier.arrive $0xFFFF  }
0x14c: {  	_ =	shalt  }

</sc_bundles>
